<compile_context>
chip_gen: v7x
topology: tpu7x:2x2x1
jax: 0.10.2.dev20260603
libtpu: 0.0.44.dev20260713+nightly
codegen_flags: <defaults>
</compile_context>

<pallas_src>
import functools

import jax
import jax.numpy as jnp
from jax import lax
from jax.experimental import pallas as pl
from jax.experimental.pallas import tpu as pltpu
from jax.experimental.pallas import tpu_sc as plsc

TB = 1024


def _sc_gather(flat_table, idx_raw, num_cat, vocab):
    R = idx_raw.shape[0]
    D = flat_table.shape[1]
    NW = 32
    b_per_w = R // NW
    CH = 128
    n_ch = b_per_w // CH
    mesh = plsc.VectorSubcoreMesh(core_axis_name="c", subcore_axis_name="s")

    @functools.partial(
        pl.kernel, mesh=mesh,
        compiler_params=pltpu.CompilerParams(use_tc_tiling_on_sc=False),
        out_type=jax.ShapeDtypeStruct((R, D), jnp.float32),
    scratch_types=[
            pltpu.VMEM((b_per_w,), jnp.int32),
            pltpu.VMEM((CH, D), jnp.float32),
            pltpu.VMEM((CH, D), jnp.float32),
            pltpu.VMEM((CH, D), jnp.float32),
            pltpu.VMEM((CH, D), jnp.float32),
            pltpu.SemaphoreType.DMA,
            pltpu.SemaphoreType.DMA,
        ],
    )
    def gk(idx_hbm, tab_hbm, out_hbm, idx_v, rows0, rows1, rows2, rows3,
           gsem, ssem):
        wid = lax.axis_index("s") * 2 + lax.axis_index("c")
        base = wid * b_per_w
        pltpu.sync_copy(idx_hbm.at[pl.ds(base, b_per_w)], idx_v)
        offv = lax.rem(lax.iota(jnp.int32, 16), num_cat) * vocab

        def add_off(i, carry):
            s = pl.multiple_of(i * 16, 16)
            idx_v[pl.ds(s, 16)] = idx_v[pl.ds(s, 16)] + offv
            return carry

        lax.fori_loop(0, b_per_w // 16, add_off, 0)

        bufs = (rows0, rows1, rows2, rows3)

        def gather(s):
            return pltpu.async_copy(
                tab_hbm.at[idx_v.at[pl.ds(s * CH, CH)]], bufs[s % 4], gsem)

        hg, hs = {}, {}
        for s in range(min(2, n_ch)):
            hg[s] = gather(s)
        for s in range(n_ch):
            nxt = s + 2
            if nxt < n_ch:
                if nxt - 4 >= 0:
                    hs.pop(nxt - 4).wait()
                hg[nxt] = gather(nxt)
            hg.pop(s).wait()
            hs[s] = pltpu.async_copy(
                bufs[s % 4], out_hbm.at[pl.ds(base + s * CH, CH)], ssem)
        for s in sorted(hs):
            hs[s].wait()

    return gk(idx_raw, flat_table)


def _mlp_body(nm, emb, vid, msk, wea, ven,
              wW1, wb1, wW2, wb2, vW1, vb1, vW2, vb2,
              W0abc, W0d, W0e, b0, W1, b1, W2, b2, out):
    f32, bf16 = jnp.float32, jnp.bfloat16
    dot = functools.partial(jnp.dot, preferred_element_type=f32)
    we = jnp.maximum(dot(wea[...], wW1[...]) + wb1[...], 0.0)
    we = dot(we, wW2[...]) + wb2[...]
    ve = jnp.maximum(dot(ven[...], vW1[...]) + vb1[...], 0.0)
    ve = dot(ve, vW2[...]) + vb2[...]
    xs = jnp.concatenate(
        [nm[...].astype(bf16), emb[...].astype(bf16),
         (vid[...] * msk[...]).astype(bf16)], axis=1)
    h0 = (dot(xs, W0abc[...])
          + dot(we.astype(bf16), W0d[...])
          + dot(ve.astype(bf16), W0e[...])
          + b0[...])
    h0 = jnp.maximum(h0, 0.0).astype(bf16)
    h1 = jnp.maximum(dot(h0, W1[...]) + b1[...], 0.0).astype(bf16)
    out[...] = dot(h1, W2[...]) + b2[...]


def _mlp(nm, emb, vid, msk, wea, ven,
         wW1, wb1, wW2, wb2, vW1, vb1, vW2, vb2,
         W0abc, W0d, W0e, b0, W1, b1, W2, b2):
    B = nm.shape[0]
    CTX = W2.shape[1]

    def bspec(a):
        return pl.BlockSpec((TB,) + a.shape[1:], lambda i: (i,) + (0,) * (a.ndim - 1))

    def fspec(a):
        return pl.BlockSpec(a.shape, lambda i: (0,) * a.ndim)

    batched = [nm, emb, vid, msk, wea, ven]
    full = [wW1, wb1, wW2, wb2, vW1, vb1, vW2, vb2,
            W0abc, W0d, W0e, b0, W1, b1, W2, b2]
    return pl.pallas_call(
        _mlp_body,
        grid=(B // TB,),
        in_specs=[bspec(a) for a in batched] + [fspec(a) for a in full],
        out_specs=pl.BlockSpec((TB, CTX), lambda i: (i, 0)),
        out_shape=jax.ShapeDtypeStruct((B, CTX), jnp.float32),
    )(*batched, *full)


def kernel(numeric_features, categorical_features, video_features, video_mask,
           weather_features, venue_coordinates, emb_tables,
           wW1, wb1, wW2, wb2, vW1, vb1, vW2, vb2,
           mW0, mb0, mW1, mb1, mW2, mb2):
    B = numeric_features.shape[0]
    num_cat, vocab, emb_d = emb_tables.shape
    numeric = numeric_features.shape[1]
    video = video_features.shape[1]
    weather = weather_features.shape[1]
    venue = venue_coordinates.shape[1]

    flat_tab = emb_tables.reshape(num_cat * vocab, emb_d)
    idx_raw = categorical_features.astype(jnp.int32).reshape(-1)
    emb = _sc_gather(flat_tab, idx_raw, num_cat, vocab).reshape(B, num_cat * emb_d)

    o0 = numeric
    o1 = o0 + num_cat * emb_d
    o2 = o1 + video
    o3 = o2 + weather
    o4 = o3 + 2 * venue
    mW0h = mW0.astype(jnp.bfloat16)
    W0abc, W0d, W0e = mW0h[:o2], mW0h[o2:o3], mW0h[o3:o4]
    mW1 = mW1.astype(jnp.bfloat16)
    mW2 = mW2.astype(jnp.bfloat16)

    r1 = lambda b: b.reshape(1, -1)
    return _mlp(numeric_features, emb, video_features, video_mask,
                weather_features, venue_coordinates,
                wW1, r1(wb1), wW2, r1(wb2), vW1, r1(vb1), vW2, r1(vb2),
                W0abc, W0d, W0e, r1(mb0), mW1, r1(mb1), mW2, r1(mb2))

# --- scband reference (transcript-rebuilt; emitter-appended) ---
"""Pipeline reference for scband-static-context-encoder-944892805488 (READ-ONLY COPY).

The authoritative reference and input builder live on the scoring server;
editing this copy changes nothing except your own understanding.
"""

import jax, jax.numpy as jnp
import numpy as np

B = 16384
NUM_CAT = 8
VOCAB = 100000
EMB = 32
NUMERIC = 64
VIDEO = 512
WEATHER = 6
VENUE = 2
H0, H1 = 2048, 1024
CTX = 512
MLP_IN = NUMERIC + NUM_CAT * EMB + VIDEO + WEATHER + VENUE * 2  # 842


def setup_inputs(seed: int = 0) -> dict:
    key = jax.random.key(seed)
    ks = jax.random.split(key, 24)
    inp = {}
    inp["numeric_features"] = jax.random.normal(ks[0], (B, NUMERIC), dtype=jnp.float32)
    inp["categorical_features"] = jax.random.randint(ks[1], (B, NUM_CAT), 0, VOCAB)
    inp["video_features"] = jax.random.normal(ks[2], (B, VIDEO), dtype=jnp.float32)
    inp["video_mask"] = jnp.ones((B, 1), dtype=jnp.float32)
    inp["weather_features"] = jax.random.normal(ks[3], (B, WEATHER), dtype=jnp.float32)
    inp["venue_coordinates"] = jax.random.normal(ks[4], (B, VENUE), dtype=jnp.float32)
    # learned parameters
    inp["emb_tables"] = jax.random.normal(ks[5], (NUM_CAT, VOCAB, EMB), dtype=jnp.float32) * 0.02
    inp["wW1"] = jax.random.normal(ks[6], (WEATHER, WEATHER * 2), dtype=jnp.float32) * 0.1
    inp["wb1"] = jnp.zeros((WEATHER * 2,), dtype=jnp.float32)
    inp["wW2"] = jax.random.normal(ks[7], (WEATHER * 2, WEATHER), dtype=jnp.float32) * 0.1
    inp["wb2"] = jnp.zeros((WEATHER,), dtype=jnp.float32)
    inp["vW1"] = jax.random.normal(ks[8], (VENUE, VENUE * 4), dtype=jnp.float32) * 0.1
    inp["vb1"] = jnp.zeros((VENUE * 4,), dtype=jnp.float32)
    inp["vW2"] = jax.random.normal(ks[9], (VENUE * 4, VENUE * 2), dtype=jnp.float32) * 0.1
    inp["vb2"] = jnp.zeros((VENUE * 2,), dtype=jnp.float32)
    inp["mW0"] = jax.random.normal(ks[10], (MLP_IN, H0), dtype=jnp.float32) * (1.0 / np.sqrt(MLP_IN))
    inp["mb0"] = jnp.zeros((H0,), dtype=jnp.float32)
    inp["mW1"] = jax.random.normal(ks[11], (H0, H1), dtype=jnp.float32) * (1.0 / np.sqrt(H0))
    inp["mb1"] = jnp.zeros((H1,), dtype=jnp.float32)
    inp["mW2"] = jax.random.normal(ks[12], (H1, CTX), dtype=jnp.float32) * (1.0 / np.sqrt(H1))
    inp["mb2"] = jnp.zeros((CTX,), dtype=jnp.float32)
    return inp


def reference(numeric_features, categorical_features, video_features, video_mask,
              weather_features, venue_coordinates, emb_tables,
              wW1, wb1, wW2, wb2, vW1, vb1, vW2, vb2,
              mW0, mb0, mW1, mb1, mW2, mb2):
    # per-feature embedding lookups
    embedded_cats = [emb_tables[i][categorical_features[:, i]] for i in range(NUM_CAT)]
    all_embeddings = jnp.concatenate(embedded_cats, axis=1)
    masked_video_features = video_features * video_mask
    # weather encoder: Linear -> ReLU -> Linear
    weather_encoded = jnp.maximum(weather_features @ wW1 + wb1, 0.0) @ wW2 + wb2
    # venue coord encoder: Linear -> ReLU -> Linear
    venue_encoded = jnp.maximum(venue_coordinates @ vW1 + vb1, 0.0) @ vW2 + vb2
    combined = jnp.concatenate([numeric_features, all_embeddings, masked_video_features,
                                weather_encoded, venue_encoded], axis=1)
    # encoder MLP (dropout is identity in eval mode)
    h = jnp.maximum(combined @ mW0 + mb0, 0.0)
    h = jnp.maximum(h @ mW1 + mb1, 0.0)
    context_vector = h @ mW2 + mb2
    return context_vector

if __name__ == "__main__":
    import jax
    _d = setup_inputs()
    print(jax.jit(kernel)(*tuple(_d.values())))

</pallas_src>

<mosaic_0001>
#map = affine_map<(d0, d1) -> (0)>
#map1 = affine_map<(d0, d1) -> (0, 0)>
module attributes {stable_mosaic.version = 14 : i64} {
  func.func @gk(%arg0: i32, %arg1: i32, %arg2: memref<131072xi32, #tpu.memory_space<hbm>>, %arg3: memref<800000x32xf32, #tpu.memory_space<hbm>>, %arg4: memref<131072x32xf32, #tpu.memory_space<hbm>>, %arg5: memref<4096xi32, #tpu.memory_space<vmem>>, %arg6: memref<128x32xf32, #tpu.memory_space<vmem>>, %arg7: memref<128x32xf32, #tpu.memory_space<vmem>>, %arg8: memref<128x32xf32, #tpu.memory_space<vmem>>, %arg9: memref<128x32xf32, #tpu.memory_space<vmem>>, %arg10: memref<!tpu.dma_semaphore, #tpu.memory_space<semaphore_mem>>, %arg11: memref<!tpu.dma_semaphore, #tpu.memory_space<semaphore_mem>>) attributes {dimension_semantics = [#tpu.dimension_semantics<core_parallel>, #tpu.dimension_semantics<subcore_parallel>], iteration_bounds = array<i64: 2, 16>, scalar_prefetch = 0 : i64, scratch_operands = 7 : i64, tpu.core_type = #tpu.core_type<sc_vector_subcore>, window_params = [{transform_indices = #map}, {transform_indices = #map1}, {transform_indices = #map1}]} {
    %mul3A = arith.constant 2 : i32
    %mul3A_0 = arith.muli %arg1, %mul3A : i32
    %add3A = arith.addi %mul3A_0, %arg0 : i32
    %mul3A_1 = arith.constant 4096 : i32
    %mul3A_2 = arith.muli %add3A, %mul3A_1 : i32
    "tpu.region"() ({
      %run_scoped3A = tpu.sem_alloc : memref<!tpu.dma_semaphore, #tpu.memory_space<semaphore_mem>>
      %dma_start3A_651 = tpu.memref_slice %arg2[%mul3A_2] : memref<131072xi32, #tpu.memory_space<hbm>> -> memref<4096xi32, #tpu.memory_space<hbm>>
      %dma_start3A_652 = tpu.memref_slice %arg2[%mul3A_2] : memref<131072xi32, #tpu.memory_space<hbm>> -> memref<4096xi32, #tpu.memory_space<hbm>>
      tpu.enqueue_dma source(%dma_start3A_652 : memref<4096xi32, #tpu.memory_space<hbm>>) target(%arg5 : memref<4096xi32, #tpu.memory_space<vmem>>) target_semaphore(%run_scoped3A : memref<!tpu.dma_semaphore, #tpu.memory_space<semaphore_mem>>)
      %dma_wait3A_653 = tpu.memref_slice %arg2[%mul3A_2] : memref<131072xi32, #tpu.memory_space<hbm>> -> memref<4096xi32, #tpu.memory_space<hbm>>
      %dma_wait3A_654 = tpu.memref_slice %arg2[%mul3A_2] : memref<131072xi32, #tpu.memory_space<hbm>> -> memref<4096xi32, #tpu.memory_space<hbm>>
      tpu.wait_dma2 semaphore(%run_scoped3A : memref<!tpu.dma_semaphore, #tpu.memory_space<semaphore_mem>>) src(%dma_wait3A_654 : memref<4096xi32, #tpu.memory_space<hbm>>) dst(%arg5 : memref<4096xi32, #tpu.memory_space<vmem>>)
      tpu.yield
    }) : () -> ()
    %iota3A = tpu.iota {dimensions = array<i32: 0>} : vector<16xi32>
    %rem3A = arith.constant 8 : i32
    %rem3A_3 = vector.broadcast %rem3A : i32 to vector<16xi32>
    %rem3A_4 = arith.remsi %iota3A, %rem3A_3 : vector<16xi32>
    %mul3A_5 = arith.constant 100000 : i32
    %mul3A_6 = vector.broadcast %mul3A_5 : i32 to vector<16xi32>
    %mul3A_7 = arith.muli %rem3A_4, %mul3A_6 : vector<16xi32>
    %scan3A = arith.constant 0 : i32
    %scan3A_8 = arith.constant 0 : i32
    %scan3A_9 = arith.constant 256 : i32
    %scan3A_10 = arith.addi %scan3A_8, %scan3A_9 : i32
    %scan3A_11 = arith.constant 1 : i32
    scf.for %scan3A_651 = %scan3A_8 to %scan3A_10 step %scan3A_11  : i32 {
      %mul3A_652 = arith.constant 16 : i32
      %mul3A_653 = arith.muli %scan3A_651, %mul3A_652 : i32
      %multiple_of3A = tpu.assume_multiple %mul3A_653, 16 : i32
      %get3A = arith.index_cast %multiple_of3A : i32 to index
      %get3A_654 = tpu.vector_load %arg5[%get3A] {strides = array<i32>} : memref<4096xi32, #tpu.memory_space<vmem>>, vector<16xi32>,
      %get3A_655 = vector.shape_cast %get3A_654 : vector<16xi32> to vector<16xi32>
      %add3A_656 = arith.addi %get3A_655, %mul3A_7 : vector<16xi32>
      %swap3A = arith.index_cast %multiple_of3A : i32 to index
      %swap3A_657 = tpu.vector_load %arg5[%swap3A] {strides = array<i32>} : memref<4096xi32, #tpu.memory_space<vmem>>, vector<16xi32>,
      %swap3A_658 = vector.shape_cast %swap3A_657 : vector<16xi32> to vector<16xi32>
      %swap3A_659 = vector.shape_cast %add3A_656 : vector<16xi32> to vector<16xi32>
      tpu.vector_store %arg5[%swap3A], %swap3A_659 {strides = array<i32>} : memref<4096xi32, #tpu.memory_space<vmem>>, vector<16xi32>,
    }
    %scan3A_12 = arith.constant 256 : i32
    %dma_start3A = arith.constant 0 : i32
    %dma_start3A_13 = tpu.memref_slice %arg5[%dma_start3A] : memref<4096xi32, #tpu.memory_space<vmem>> -> memref<128xi32, #tpu.memory_space<vmem>>
    %dma_start3A_14 = arith.constant 0 : i32
    %dma_start3A_15 = arith.constant 0 : i32
    %dma_start3A_16 = tpu.memref_slice %arg3[%dma_start3A_14, %dma_start3A_15] : memref<800000x32xf32, #tpu.memory_space<hbm>> -> memref<800000x32xf32, #tpu.memory_space<hbm>>
    tpu.enqueue_indirect_dma source(%dma_start3A_16 : memref<800000x32xf32, #tpu.memory_space<hbm>>) target(%arg6 : memref<128x32xf32, #tpu.memory_space<vmem>>) offsets(%dma_start3A_13 : memref<128xi32, #tpu.memory_space<vmem>>) semaphore(%arg10 : memref<!tpu.dma_semaphore, #tpu.memory_space<semaphore_mem>>)
    %dma_start3A_17 = arith.constant 128 : i32
    %dma_start3A_18 = tpu.memref_slice %arg5[%dma_start3A_17] : memref<4096xi32, #tpu.memory_space<vmem>> -> memref<128xi32, #tpu.memory_space<vmem>>
    %dma_start3A_19 = arith.constant 0 : i32
    %dma_start3A_20 = arith.constant 0 : i32
    %dma_start3A_21 = tpu.memref_slice %arg3[%dma_start3A_19, %dma_start3A_20] : memref<800000x32xf32, #tpu.memory_space<hbm>> -> memref<800000x32xf32, #tpu.memory_space<hbm>>
    tpu.enqueue_indirect_dma source(%dma_start3A_21 : memref<800000x32xf32, #tpu.memory_space<hbm>>) target(%arg7 : memref<128x32xf32, #tpu.memory_space<vmem>>) offsets(%dma_start3A_18 : memref<128xi32, #tpu.memory_space<vmem>>) semaphore(%arg10 : memref<!tpu.dma_semaphore, #tpu.memory_space<semaphore_mem>>)
    %dma_start3A_22 = arith.constant 256 : i32
    %dma_start3A_23 = tpu.memref_slice %arg5[%dma_start3A_22] : memref<4096xi32, #tpu.memory_space<vmem>> -> memref<128xi32, #tpu.memory_space<vmem>>
    %dma_start3A_24 = arith.constant 0 : i32
    %dma_start3A_25 = arith.constant 0 : i32
    %dma_start3A_26 = tpu.memref_slice %arg3[%dma_start3A_24, %dma_start3A_25] : memref<800000x32xf32, #tpu.memory_space<hbm>> -> memref<800000x32xf32, #tpu.memory_space<hbm>>
    tpu.enqueue_indirect_dma source(%dma_start3A_26 : memref<800000x32xf32, #tpu.memory_space<hbm>>) target(%arg8 : memref<128x32xf32, #tpu.memory_space<vmem>>) offsets(%dma_start3A_23 : memref<128xi32, #tpu.memory_space<vmem>>) semaphore(%arg10 : memref<!tpu.dma_semaphore, #tpu.memory_space<semaphore_mem>>)
    %dma_wait3A = arith.constant 0 : i32
    %dma_wait3A_27 = tpu.memref_slice %arg5[%dma_wait3A] : memref<4096xi32, #tpu.memory_space<vmem>> -> memref<128xi32, #tpu.memory_space<vmem>>
    %dma_wait3A_28 = arith.constant 0 : i32
    %dma_wait3A_29 = arith.constant 0 : i32
    %dma_wait3A_30 = tpu.memref_slice %arg3[%dma_wait3A_28, %dma_wait3A_29] : memref<800000x32xf32, #tpu.memory_space<hbm>> -> memref<800000x32xf32, #tpu.memory_space<hbm>>
    tpu.wait_indirect_dma semaphore(%arg10 : memref<!tpu.dma_semaphore, #tpu.memory_space<semaphore_mem>>) src(%dma_wait3A_30 : memref<800000x32xf32, #tpu.memory_space<hbm>>) dst(%arg6 : memref<128x32xf32, #tpu.memory_space<vmem>>)
    %add3A_31 = arith.constant 0 : i32
    %add3A_32 = arith.addi %mul3A_2, %add3A_31 : i32
    %dma_start3A_33 = arith.constant 0 : i32
    %dma_start3A_34 = tpu.memref_slice %arg4[%add3A_32, %dma_start3A_33] : memref<131072x32xf32, #tpu.memory_space<hbm>> -> memref<128x32xf32, #tpu.memory_space<hbm>>
    %dma_start3A_35 = arith.constant 0 : i32
    %dma_start3A_36 = tpu.memref_slice %arg4[%add3A_32, %dma_start3A_35] : memref<131072x32xf32, #tpu.memory_space<hbm>> -> memref<128x32xf32, #tpu.memory_space<hbm>>
    tpu.enqueue_dma source(%arg6 : memref<128x32xf32, #tpu.memory_space<vmem>>) target(%dma_start3A_36 : memref<128x32xf32, #tpu.memory_space<hbm>>) target_semaphore(%arg11 : memref<!tpu.dma_semaphore, #tpu.memory_space<semaphore_mem>>)
    %dma_start3A_37 = arith.constant 384 : i32
    %dma_start3A_38 = tpu.memref_slice %arg5[%dma_start3A_37] : memref<4096xi32, #tpu.memory_space<vmem>> -> memref<128xi32, #tpu.memory_space<vmem>>
    %dma_start3A_39 = arith.constant 0 : i32
    %dma_start3A_40 = arith.constant 0 : i32
    %dma_start3A_41 = tpu.memref_slice %arg3[%dma_start3A_39, %dma_start3A_40] : memref<800000x32xf32, #tpu.memory_space<hbm>> -> memref<800000x32xf32, #tpu.memory_space<hbm>>
    tpu.enqueue_indirect_dma source(%dma_start3A_41 : memref<800000x32xf32, #tpu.memory_space<hbm>>) target(%arg9 : memref<128x32xf32, #tpu.memory_space<vmem>>) offsets(%dma_start3A_38 : memref<128xi32, #tpu.memory_space<vmem>>) semaphore(%arg10 : memref<!tpu.dma_semaphore, #tpu.memory_space<semaphore_mem>>)
    %dma_wait3A_42 = arith.constant 128 : i32
    %dma_wait3A_43 = tpu.memref_slice %arg5[%dma_wait3A_42] : memref<4096xi32, #tpu.memory_space<vmem>> -> memref<128xi32, #tpu.memory_space<vmem>>
    %dma_wait3A_44 = arith.constant 0 : i32
    %dma_wait3A_45 = arith.constant 0 : i32
    %dma_wait3A_46 = tpu.memref_slice %arg3[%dma_wait3A_44, %dma_wait3A_45] : memref<800000x32xf32, #tpu.memory_space<hbm>> -> memref<800000x32xf32, #tpu.memory_space<hbm>>
    tpu.wait_indirect_dma semaphore(%arg10 : memref<!tpu.dma_semaphore, #tpu.memory_space<semaphore_mem>>) src(%dma_wait3A_46 : memref<800000x32xf32, #tpu.memory_space<hbm>>) dst(%arg7 : memref<128x32xf32, #tpu.memory_space<vmem>>)
    %add3A_47 = arith.constant 128 : i32
    %add3A_48 = arith.addi %mul3A_2, %add3A_47 : i32
    %dma_start3A_49 = arith.constant 0 : i32
    %dma_start3A_50 = tpu.memref_slice %arg4[%add3A_48, %dma_start3A_49] : memref<131072x32xf32, #tpu.memory_space<hbm>> -> memref<128x32xf32, #tpu.memory_space<hbm>>
    %dma_start3A_51 = arith.constant 0 : i32
    %dma_start3A_52 = tpu.memref_slice %arg4[%add3A_48, %dma_start3A_51] : memref<131072x32xf32, #tpu.memory_space<hbm>> -> memref<128x32xf32, #tpu.memory_space<hbm>>
    tpu.enqueue_dma source(%arg7 : memref<128x32xf32, #tpu.memory_space<vmem>>) target(%dma_start3A_52 : memref<128x32xf32, #tpu.memory_space<hbm>>) target_semaphore(%arg11 : memref<!tpu.dma_semaphore, #tpu.memory_space<semaphore_mem>>)
    %dma_wait3A_53 = arith.constant 0 : i32
    %dma_wait3A_54 = tpu.memref_slice %arg4[%add3A_32, %dma_wait3A_53] : memref<131072x32xf32, #tpu.memory_space<hbm>> -> memref<128x32xf32, #tpu.memory_space<hbm>>
    %dma_wait3A_55 = arith.constant 0 : i32
    %dma_wait3A_56 = tpu.memref_slice %arg4[%add3A_32, %dma_wait3A_55] : memref<131072x32xf32, #tpu.memory_space<hbm>> -> memref<128x32xf32, #tpu.memory_space<hbm>>
    tpu.wait_dma2 semaphore(%arg11 : memref<!tpu.dma_semaphore, #tpu.memory_space<semaphore_mem>>) src(%arg6 : memref<128x32xf32, #tpu.memory_space<vmem>>) dst(%dma_wait3A_56 : memref<128x32xf32, #tpu.memory_space<hbm>>)
    %dma_start3A_57 = arith.constant 512 : i32
    %dma_start3A_58 = tpu.memref_slice %arg5[%dma_start3A_57] : memref<4096xi32, #tpu.memory_space<vmem>> -> memref<128xi32, #tpu.memory_space<vmem>>
    %dma_start3A_59 = arith.constant 0 : i32
    %dma_start3A_60 = arith.constant 0 : i32
    %dma_start3A_61 = tpu.memref_slice %arg3[%dma_start3A_59, %dma_start3A_60] : memref<800000x32xf32, #tpu.memory_space<hbm>> -> memref<800000x32xf32, #tpu.memory_space<hbm>>
    tpu.enqueue_indirect_dma source(%dma_start3A_61 : memref<800000x32xf32, #tpu.memory_space<hbm>>) target(%arg6 : memref<128x32xf32, #tpu.memory_space<vmem>>) offsets(%dma_start3A_58 : memref<128xi32, #tpu.memory_space<vmem>>) semaphore(%arg10 : memref<!tpu.dma_semaphore, #tpu.memory_space<semaphore_mem>>)
    %dma_wait3A_62 = arith.constant 256 : i32
    %dma_wait3A_63 = tpu.memref_slice %arg5[%dma_wait3A_62] : memref<4096xi32, #tpu.memory_space<vmem>> -> memref<128xi32, #tpu.memory_space<vmem>>
    %dma_wait3A_64 = arith.constant 0 : i32
    %dma_wait3A_65 = arith.constant 0 : i32
    %dma_wait3A_66 = tpu.memref_slice %arg3[%dma_wait3A_64, %dma_wait3A_65] : memref<800000x32xf32, #tpu.memory_space<hbm>> -> memref<800000x32xf32, #tpu.memory_space<hbm>>
    tpu.wait_indirect_dma semaphore(%arg10 : memref<!tpu.dma_semaphore, #tpu.memory_space<semaphore_mem>>) src(%dma_wait3A_66 : memref<800000x32xf32, #tpu.memory_space<hbm>>) dst(%arg8 : memref<128x32xf32, #tpu.memory_space<vmem>>)
    %add3A_67 = arith.constant 256 : i32
    %add3A_68 = arith.addi %mul3A_2, %add3A_67 : i32
    %dma_start3A_69 = arith.constant 0 : i32
    %dma_start3A_70 = tpu.memref_slice %arg4[%add3A_68, %dma_start3A_69] : memref<131072x32xf32, #tpu.memory_space<hbm>> -> memref<128x32xf32, #tpu.memory_space<hbm>>
    %dma_start3A_71 = arith.constant 0 : i32
    %dma_start3A_72 = tpu.memref_slice %arg4[%add3A_68, %dma_start3A_71] : memref<131072x32xf32, #tpu.memory_space<hbm>> -> memref<128x32xf32, #tpu.memory_space<hbm>>
    tpu.enqueue_dma source(%arg8 : memref<128x32xf32, #tpu.memory_space<vmem>>) target(%dma_start3A_72 : memref<128x32xf32, #tpu.memory_space<hbm>>) target_semaphore(%arg11 : memref<!tpu.dma_semaphore, #tpu.memory_space<semaphore_mem>>)
    %dma_wait3A_73 = arith.constant 0 : i32
    %dma_wait3A_74 = tpu.memref_slice %arg4[%add3A_48, %dma_wait3A_73] : memref<131072x32xf32, #tpu.memory_space<hbm>> -> memref<128x32xf32, #tpu.memory_space<hbm>>
    %dma_wait3A_75 = arith.constant 0 : i32
    %dma_wait3A_76 = tpu.memref_slice %arg4[%add3A_48, %dma_wait3A_75] : memref<131072x32xf32, #tpu.memory_space<hbm>> -> memref<128x32xf32, #tpu.memory_space<hbm>>
    tpu.wait_dma2 semaphore(%arg11 : memref<!tpu.dma_semaphore, #tpu.memory_space<semaphore_mem>>) src(%arg7 : memref<128x32xf32, #tpu.memory_space<vmem>>) dst(%dma_wait3A_76 : memref<128x32xf32, #tpu.memory_space<hbm>>)
    %dma_start3A_77 = arith.constant 640 : i32
    %dma_start3A_78 = tpu.memref_slice %arg5[%dma_start3A_77] : memref<4096xi32, #tpu.memory_space<vmem>> -> memref<128xi32, #tpu.memory_space<vmem>>
    %dma_start3A_79 = arith.constant 0 : i32
    %dma_start3A_80 = arith.constant 0 : i32
    %dma_start3A_81 = tpu.memref_slice %arg3[%dma_start3A_79, %dma_start3A_80] : memref<800000x32xf32, #tpu.memory_space<hbm>> -> memref<800000x32xf32, #tpu.memory_space<hbm>>
    tpu.enqueue_indirect_dma source(%dma_start3A_81 : memref<800000x32xf32, #tpu.memory_space<hbm>>) target(%arg7 : memref<128x32xf32, #tpu.memory_space<vmem>>) offsets(%dma_start3A_78 : memref<128xi32, #tpu.memory_space<vmem>>) semaphore(%arg10 : memref<!tpu.dma_semaphore, #tpu.memory_space<semaphore_mem>>)
    %dma_wait3A_82 = arith.constant 384 : i32
    %dma_wait3A_83 = tpu.memref_slice %arg5[%dma_wait3A_82] : memref<4096xi32, #tpu.memory_space<vmem>> -> memref<128xi32, #tpu.memory_space<vmem>>
    %dma_wait3A_84 = arith.constant 0 : i32
    %dma_wait3A_85 = arith.constant 0 : i32
    %dma_wait3A_86 = tpu.memref_slice %arg3[%dma_wait3A_84, %dma_wait3A_85] : memref<800000x32xf32, #tpu.memory_space<hbm>> -> memref<800000x32xf32, #tpu.memory_space<hbm>>
    tpu.wait_indirect_dma semaphore(%arg10 : memref<!tpu.dma_semaphore, #tpu.memory_space<semaphore_mem>>) src(%dma_wait3A_86 : memref<800000x32xf32, #tpu.memory_space<hbm>>) dst(%arg9 : memref<128x32xf32, #tpu.memory_space<vmem>>)
    %add3A_87 = arith.constant 384 : i32
    %add3A_88 = arith.addi %mul3A_2, %add3A_87 : i32
    %dma_start3A_89 = arith.constant 0 : i32
    %dma_start3A_90 = tpu.memref_slice %arg4[%add3A_88, %dma_start3A_89] : memref<131072x32xf32, #tpu.memory_space<hbm>> -> memref<128x32xf32, #tpu.memory_space<hbm>>
    %dma_start3A_91 = arith.constant 0 : i32
    %dma_start3A_92 = tpu.memref_slice %arg4[%add3A_88, %dma_start3A_91] : memref<131072x32xf32, #tpu.memory_space<hbm>> -> memref<128x32xf32, #tpu.memory_space<hbm>>
    tpu.enqueue_dma source(%arg9 : memref<128x32xf32, #tpu.memory_space<vmem>>) target(%dma_start3A_92 : memref<128x32xf32, #tpu.memory_space<hbm>>) target_semaphore(%arg11 : memref<!tpu.dma_semaphore, #tpu.memory_space<semaphore_mem>>)
    %dma_wait3A_93 = arith.constant 0 : i32
    %dma_wait3A_94 = tpu.memref_slice %arg4[%add3A_68, %dma_wait3A_93] : memref<131072x32xf32, #tpu.memory_space<hbm>> -> memref<128x32xf32, #tpu.memory_space<hbm>>
    %dma_wait3A_95 = arith.constant 0 : i32
    %dma_wait3A_96 = tpu.memref_slice %arg4[%add3A_68, %dma_wait3A_95] : memref<131072x32xf32, #tpu.memory_space<hbm>> -> memref<128x32xf32, #tpu.memory_space<hbm>>
    tpu.wait_dma2 semaphore(%arg11 : memref<!tpu.dma_semaphore, #tpu.memory_space<semaphore_mem>>) src(%arg8 : memref<128x32xf32, #tpu.memory_space<vmem>>) dst(%dma_wait3A_96 : memref<128x32xf32, #tpu.memory_space<hbm>>)
    %dma_start3A_97 = arith.constant 768 : i32
    %dma_start3A_98 = tpu.memref_slice %arg5[%dma_start3A_97] : memref<4096xi32, #tpu.memory_space<vmem>> -> memref<128xi32, #tpu.memory_space<vmem>>
    %dma_start3A_99 = arith.constant 0 : i32
    %dma_start3A_100 = arith.constant 0 : i32
    %dma_start3A_101 = tpu.memref_slice %arg3[%dma_start3A_99, %dma_start3A_100] : memref<800000x32xf32, #tpu.memory_space<hbm>> -> memref<800000x32xf32, #tpu.memory_space<hbm>>
    tpu.enqueue_indirect_dma source(%dma_start3A_101 : memref<800000x32xf32, #tpu.memory_space<hbm>>) target(%arg8 : memref<128x32xf32, #tpu.memory_space<vmem>>) offsets(%dma_start3A_98 : memref<128xi32, #tpu.memory_space<vmem>>) semaphore(%arg10 : memref<!tpu.dma_semaphore, #tpu.memory_space<semaphore_mem>>)
    %dma_wait3A_102 = arith.constant 512 : i32
    %dma_wait3A_103 = tpu.memref_slice %arg5[%dma_wait3A_102] : memref<4096xi32, #tpu.memory_space<vmem>> -> memref<128xi32, #tpu.memory_space<vmem>>
    %dma_wait3A_104 = arith.constant 0 : i32
    %dma_wait3A_105 = arith.constant 0 : i32
    %dma_wait3A_106 = tpu.memref_slice %arg3[%dma_wait3A_104, %dma_wait3A_105] : memref<800000x32xf32, #tpu.memory_space<hbm>> -> memref<800000x32xf32, #tpu.memory_space<hbm>>
    tpu.wait_indirect_dma semaphore(%arg10 : memref<!tpu.dma_semaphore, #tpu.memory_space<semaphore_mem>>) src(%dma_wait3A_106 : memref<800000x32xf32, #tpu.memory_space<hbm>>) dst(%arg6 : memref<128x32xf32, #tpu.memory_space<vmem>>)
    %add3A_107 = arith.constant 512 : i32
    %add3A_108 = arith.addi %mul3A_2, %add3A_107 : i32
    %dma_start3A_109 = arith.constant 0 : i32
    %dma_start3A_110 = tpu.memref_slice %arg4[%add3A_108, %dma_start3A_109] : memref<131072x32xf32, #tpu.memory_space<hbm>> -> memref<128x32xf32, #tpu.memory_space<hbm>>
    %dma_start3A_111 = arith.constant 0 : i32
    %dma_start3A_112 = tpu.memref_slice %arg4[%add3A_108, %dma_start3A_111] : memref<131072x32xf32, #tpu.memory_space<hbm>> -> memref<128x32xf32, #tpu.memory_space<hbm>>
    tpu.enqueue_dma source(%arg6 : memref<128x32xf32, #tpu.memory_space<vmem>>) target(%dma_start3A_112 : memref<128x32xf32, #tpu.memory_space<hbm>>) target_semaphore(%arg11 : memref<!tpu.dma_semaphore, #tpu.memory_space<semaphore_mem>>)
    %dma_wait3A_113 = arith.constant 0 : i32
    %dma_wait3A_114 = tpu.memref_slice %arg4[%add3A_88, %dma_wait3A_113] : memref<131072x32xf32, #tpu.memory_space<hbm>> -> memref<128x32xf32, #tpu.memory_space<hbm>>
    %dma_wait3A_115 = arith.constant 0 : i32
    %dma_wait3A_116 = tpu.memref_slice %arg4[%add3A_88, %dma_wait3A_115] : memref<131072x32xf32, #tpu.memory_space<hbm>> -> memref<128x32xf32, #tpu.memory_space<hbm>>
    tpu.wait_dma2 semaphore(%arg11 : memref<!tpu.dma_semaphore, #tpu.memory_space<semaphore_mem>>) src(%arg9 : memref<128x32xf32, #tpu.memory_space<vmem>>) dst(%dma_wait3A_116 : memref<128x32xf32, #tpu.memory_space<hbm>>)
    %dma_start3A_117 = arith.constant 896 : i32
    %dma_start3A_118 = tpu.memref_slice %arg5[%dma_start3A_117] : memref<4096xi32, #tpu.memory_space<vmem>> -> memref<128xi32, #tpu.memory_space<vmem>>
    %dma_start3A_119 = arith.constant 0 : i32
    %dma_start3A_120 = arith.constant 0 : i32
    %dma_start3A_121 = tpu.memref_slice %arg3[%dma_start3A_119, %dma_start3A_120] : memref<800000x32xf32, #tpu.memory_space<hbm>> -> memref<800000x32xf32, #tpu.memory_space<hbm>>
    tpu.enqueue_indirect_dma source(%dma_start3A_121 : memref<800000x32xf32, #tpu.memory_space<hbm>>) target(%arg9 : memref<128x32xf32, #tpu.memory_space<vmem>>) offsets(%dma_start3A_118 : memref<128xi32, #tpu.memory_space<vmem>>) semaphore(%arg10 : memref<!tpu.dma_semaphore, #tpu.memory_space<semaphore_mem>>)
    %dma_wait3A_122 = arith.constant 640 : i32
    %dma_wait3A_123 = tpu.memref_slice %arg5[%dma_wait3A_122] : memref<4096xi32, #tpu.memory_space<vmem>> -> memref<128xi32, #tpu.memory_space<vmem>>
    %dma_wait3A_124 = arith.constant 0 : i32
    %dma_wait3A_125 = arith.constant 0 : i32
    %dma_wait3A_126 = tpu.memref_slice %arg3[%dma_wait3A_124, %dma_wait3A_125] : memref<800000x32xf32, #tpu.memory_space<hbm>> -> memref<800000x32xf32, #tpu.memory_space<hbm>>
    tpu.wait_indirect_dma semaphore(%arg10 : memref<!tpu.dma_semaphore, #tpu.memory_space<semaphore_mem>>) src(%dma_wait3A_126 : memref<800000x32xf32, #tpu.memory_space<hbm>>) dst(%arg7 : memref<128x32xf32, #tpu.memory_space<vmem>>)
    %add3A_127 = arith.constant 640 : i32
    %add3A_128 = arith.addi %mul3A_2, %add3A_127 : i32
    %dma_start3A_129 = arith.constant 0 : i32
    %dma_start3A_130 = tpu.memref_slice %arg4[%add3A_128, %dma_start3A_129] : memref<131072x32xf32, #tpu.memory_space<hbm>> -> memref<128x32xf32, #tpu.memory_space<hbm>>
    %dma_start3A_131 = arith.constant 0 : i32
    %dma_start3A_132 = tpu.memref_slice %arg4[%add3A_128, %dma_start3A_131] : memref<131072x32xf32, #tpu.memory_space<hbm>> -> memref<128x32xf32, #tpu.memory_space<hbm>>
    tpu.enqueue_dma source(%arg7 : memref<128x32xf32, #tpu.memory_space<vmem>>) target(%dma_start3A_132 : memref<128x32xf32, #tpu.memory_space<hbm>>) target_semaphore(%arg11 : memref<!tpu.dma_semaphore, #tpu.memory_space<semaphore_mem>>)
    %dma_wait3A_133 = arith.constant 0 : i32
    %dma_wait3A_134 = tpu.memref_slice %arg4[%add3A_108, %dma_wait3A_133] : memref<131072x32xf32, #tpu.memory_space<hbm>> -> memref<128x32xf32, #tpu.memory_space<hbm>>
    %dma_wait3A_135 = arith.constant 0 : i32
    %dma_wait3A_136 = tpu.memref_slice %arg4[%add3A_108, %dma_wait3A_135] : memref<131072x32xf32, #tpu.memory_space<hbm>> -> memref<128x32xf32, #tpu.memory_space<hbm>>
    tpu.wait_dma2 semaphore(%arg11 : memref<!tpu.dma_semaphore, #tpu.memory_space<semaphore_mem>>) src(%arg6 : memref<128x32xf32, #tpu.memory_space<vmem>>) dst(%dma_wait3A_136 : memref<128x32xf32, #tpu.memory_space<hbm>>)
    %dma_start3A_137 = arith.constant 1024 : i32
    %dma_start3A_138 = tpu.memref_slice %arg5[%dma_start3A_137] : memref<4096xi32, #tpu.memory_space<vmem>> -> memref<128xi32, #tpu.memory_space<vmem>>
    %dma_start3A_139 = arith.constant 0 : i32
    %dma_start3A_140 = arith.constant 0 : i32
    %dma_start3A_141 = tpu.memref_slice %arg3[%dma_start3A_139, %dma_start3A_140] : memref<800000x32xf32, #tpu.memory_space<hbm>> -> memref<800000x32xf32, #tpu.memory_space<hbm>>
    tpu.enqueue_indirect_dma source(%dma_start3A_141 : memref<800000x32xf32, #tpu.memory_space<hbm>>) target(%arg6 : memref<128x32xf32, #tpu.memory_space<vmem>>) offsets(%dma_start3A_138 : memref<128xi32, #tpu.memory_space<vmem>>) semaphore(%arg10 : memref<!tpu.dma_semaphore, #tpu.memory_space<semaphore_mem>>)
    %dma_wait3A_142 = arith.constant 768 : i32
    %dma_wait3A_143 = tpu.memref_slice %arg5[%dma_wait3A_142] : memref<4096xi32, #tpu.memory_space<vmem>> -> memref<128xi32, #tpu.memory_space<vmem>>
    %dma_wait3A_144 = arith.constant 0 : i32
    %dma_wait3A_145 = arith.constant 0 : i32
    %dma_wait3A_146 = tpu.memref_slice %arg3[%dma_wait3A_144, %dma_wait3A_145] : memref<800000x32xf32, #tpu.memory_space<hbm>> -> memref<800000x32xf32, #tpu.memory_space<hbm>>
    tpu.wait_indirect_dma semaphore(%arg10 : memref<!tpu.dma_semaphore, #tpu.memory_space<semaphore_mem>>) src(%dma_wait3A_146 : memref<800000x32xf32, #tpu.memory_space<hbm>>) dst(%arg8 : memref<128x32xf32, #tpu.memory_space<vmem>>)
    %add3A_147 = arith.constant 768 : i32
    %add3A_148 = arith.addi %mul3A_2, %add3A_147 : i32
    %dma_start3A_149 = arith.constant 0 : i32
    %dma_start3A_150 = tpu.memref_slice %arg4[%add3A_148, %dma_start3A_149] : memref<131072x32xf32, #tpu.memory_space<hbm>> -> memref<128x32xf32, #tpu.memory_space<hbm>>
    %dma_start3A_151 = arith.constant 0 : i32
    %dma_start3A_152 = tpu.memref_slice %arg4[%add3A_148, %dma_start3A_151] : memref<131072x32xf32, #tpu.memory_space<hbm>> -> memref<128x32xf32, #tpu.memory_space<hbm>>
    tpu.enqueue_dma source(%arg8 : memref<128x32xf32, #tpu.memory_space<vmem>>) target(%dma_start3A_152 : memref<128x32xf32, #tpu.memory_space<hbm>>) target_semaphore(%arg11 : memref<!tpu.dma_semaphore, #tpu.memory_space<semaphore_mem>>)
    %dma_wait3A_153 = arith.constant 0 : i32
    %dma_wait3A_154 = tpu.memref_slice %arg4[%add3A_128, %dma_wait3A_153] : memref<131072x32xf32, #tpu.memory_space<hbm>> -> memref<128x32xf32, #tpu.memory_space<hbm>>
    %dma_wait3A_155 = arith.constant 0 : i32
    %dma_wait3A_156 = tpu.memref_slice %arg4[%add3A_128, %dma_wait3A_155] : memref<131072x32xf32, #tpu.memory_space<hbm>> -> memref<128x32xf32, #tpu.memory_space<hbm>>
    tpu.wait_dma2 semaphore(%arg11 : memref<!tpu.dma_semaphore, #tpu.memory_space<semaphore_mem>>) src(%arg7 : memref<128x32xf32, #tpu.memory_space<vmem>>) dst(%dma_wait3A_156 : memref<128x32xf32, #tpu.memory_space<hbm>>)
    %dma_start3A_157 = arith.constant 1152 : i32
    %dma_start3A_158 = tpu.memref_slice %arg5[%dma_start3A_157] : memref<4096xi32, #tpu.memory_space<vmem>> -> memref<128xi32, #tpu.memory_space<vmem>>
    %dma_start3A_159 = arith.constant 0 : i32
    %dma_start3A_160 = arith.constant 0 : i32
    %dma_start3A_161 = tpu.memref_slice %arg3[%dma_start3A_159, %dma_start3A_160] : memref<800000x32xf32, #tpu.memory_space<hbm>> -> memref<800000x32xf32, #tpu.memory_space<hbm>>
    tpu.enqueue_indirect_dma source(%dma_start3A_161 : memref<800000x32xf32, #tpu.memory_space<hbm>>) target(%arg7 : memref<128x32xf32, #tpu.memory_space<vmem>>) offsets(%dma_start3A_158 : memref<128xi32, #tpu.memory_space<vmem>>) semaphore(%arg10 : memref<!tpu.dma_semaphore, #tpu.memory_space<semaphore_mem>>)
    %dma_wait3A_162 = arith.constant 896 : i32
    %dma_wait3A_163 = tpu.memref_slice %arg5[%dma_wait3A_162] : memref<4096xi32, #tpu.memory_space<vmem>> -> memref<128xi32, #tpu.memory_space<vmem>>
    %dma_wait3A_164 = arith.constant 0 : i32
    %dma_wait3A_165 = arith.constant 0 : i32
    %dma_wait3A_166 = tpu.memref_slice %arg3[%dma_wait3A_164, %dma_wait3A_165] : memref<800000x32xf32, #tpu.memory_space<hbm>> -> memref<800000x32xf32, #tpu.memory_space<hbm>>
    tpu.wait_indirect_dma semaphore(%arg10 : memref<!tpu.dma_semaphore, #tpu.memory_space<semaphore_mem>>) src(%dma_wait3A_166 : memref<800000x32xf32, #tpu.memory_space<hbm>>) dst(%arg9 : memref<128x32xf32, #tpu.memory_space<vmem>>)
    %add3A_167 = arith.constant 896 : i32
    %add3A_168 = arith.addi %mul3A_2, %add3A_167 : i32
    %dma_start3A_169 = arith.constant 0 : i32
    %dma_start3A_170 = tpu.memref_slice %arg4[%add3A_168, %dma_start3A_169] : memref<131072x32xf32, #tpu.memory_space<hbm>> -> memref<128x32xf32, #tpu.memory_space<hbm>>
    %dma_start3A_171 = arith.constant 0 : i32
    %dma_start3A_172 = tpu.memref_slice %arg4[%add3A_168, %dma_start3A_171] : memref<131072x32xf32, #tpu.memory_space<hbm>> -> memref<128x32xf32, #tpu.memory_space<hbm>>
    tpu.enqueue_dma source(%arg9 : memref<128x32xf32, #tpu.memory_space<vmem>>) target(%dma_start3A_172 : memref<128x32xf32, #tpu.memory_space<hbm>>) target_semaphore(%arg11 : memref<!tpu.dma_semaphore, #tpu.memory_space<semaphore_mem>>)
    %dma_wait3A_173 = arith.constant 0 : i32
    %dma_wait3A_174 = tpu.memref_slice %arg4[%add3A_148, %dma_wait3A_173] : memref<131072x32xf32, #tpu.memory_space<hbm>> -> memref<128x32xf32, #tpu.memory_space<hbm>>
    %dma_wait3A_175 = arith.constant 0 : i32
    %dma_wait3A_176 = tpu.memref_slice %arg4[%add3A_148, %dma_wait3A_175] : memref<131072x32xf32, #tpu.memory_space<hbm>> -> memref<128x32xf32, #tpu.memory_space<hbm>>
    tpu.wait_dma2 semaphore(%arg11 : memref<!tpu.dma_semaphore, #tpu.memory_space<semaphore_mem>>) src(%arg8 : memref<128x32xf32, #tpu.memory_space<vmem>>) dst(%dma_wait3A_176 : memref<128x32xf32, #tpu.memory_space<hbm>>)
    %dma_start3A_177 = arith.constant 1280 : i32
    %dma_start3A_178 = tpu.memref_slice %arg5[%dma_start3A_177] : memref<4096xi32, #tpu.memory_space<vmem>> -> memref<128xi32, #tpu.memory_space<vmem>>
    %dma_start3A_179 = arith.constant 0 : i32
    %dma_start3A_180 = arith.constant 0 : i32
    %dma_start3A_181 = tpu.memref_slice %arg3[%dma_start3A_179, %dma_start3A_180] : memref<800000x32xf32, #tpu.memory_space<hbm>> -> memref<800000x32xf32, #tpu.memory_space<hbm>>
    tpu.enqueue_indirect_dma source(%dma_start3A_181 : memref<800000x32xf32, #tpu.memory_space<hbm>>) target(%arg8 : memref<128x32xf32, #tpu.memory_space<vmem>>) offsets(%dma_start3A_178 : memref<128xi32, #tpu.memory_space<vmem>>) semaphore(%arg10 : memref<!tpu.dma_semaphore, #tpu.memory_space<semaphore_mem>>)
    %dma_wait3A_182 = arith.constant 1024 : i32
    %dma_wait3A_183 = tpu.memref_slice %arg5[%dma_wait3A_182] : memref<4096xi32, #tpu.memory_space<vmem>> -> memref<128xi32, #tpu.memory_space<vmem>>
    %dma_wait3A_184 = arith.constant 0 : i32
    %dma_wait3A_185 = arith.constant 0 : i32
    %dma_wait3A_186 = tpu.memref_slice %arg3[%dma_wait3A_184, %dma_wait3A_185] : memref<800000x32xf32, #tpu.memory_space<hbm>> -> memref<800000x32xf32, #tpu.memory_space<hbm>>
    tpu.wait_indirect_dma semaphore(%arg10 : memref<!tpu.dma_semaphore, #tpu.memory_space<semaphore_mem>>) src(%dma_wait3A_186 : memref<800000x32xf32, #tpu.memory_space<hbm>>) dst(%arg6 : memref<128x32xf32, #tpu.memory_space<vmem>>)
    %add3A_187 = arith.constant 1024 : i32
    %add3A_188 = arith.addi %mul3A_2, %add3A_187 : i32
    %dma_start3A_189 = arith.constant 0 : i32
    %dma_start3A_190 = tpu.memref_slice %arg4[%add3A_188, %dma_start3A_189] : memref<131072x32xf32, #tpu.memory_space<hbm>> -> memref<128x32xf32, #tpu.memory_space<hbm>>
    %dma_start3A_191 = arith.constant 0 : i32
    %dma_start3A_192 = tpu.memref_slice %arg4[%add3A_188, %dma_start3A_191] : memref<131072x32xf32, #tpu.memory_space<hbm>> -> memref<128x32xf32, #tpu.memory_space<hbm>>
    tpu.enqueue_dma source(%arg6 : memref<128x32xf32, #tpu.memory_space<vmem>>) target(%dma_start3A_192 : memref<128x32xf32, #tpu.memory_space<hbm>>) target_semaphore(%arg11 : memref<!tpu.dma_semaphore, #tpu.memory_space<semaphore_mem>>)
    %dma_wait3A_193 = arith.constant 0 : i32
    %dma_wait3A_194 = tpu.memref_slice %arg4[%add3A_168, %dma_wait3A_193] : memref<131072x32xf32, #tpu.memory_space<hbm>> -> memref<128x32xf32, #tpu.memory_space<hbm>>
    %dma_wait3A_195 = arith.constant 0 : i32
    %dma_wait3A_196 = tpu.memref_slice %arg4[%add3A_168, %dma_wait3A_195] : memref<131072x32xf32, #tpu.memory_space<hbm>> -> memref<128x32xf32, #tpu.memory_space<hbm>>
    tpu.wait_dma2 semaphore(%arg11 : memref<!tpu.dma_semaphore, #tpu.memory_space<semaphore_mem>>) src(%arg9 : memref<128x32xf32, #tpu.memory_space<vmem>>) dst(%dma_wait3A_196 : memref<128x32xf32, #tpu.memory_space<hbm>>)
    %dma_start3A_197 = arith.constant 1408 : i32
    %dma_start3A_198 = tpu.memref_slice %arg5[%dma_start3A_197] : memref<4096xi32, #tpu.memory_space<vmem>> -> memref<128xi32, #tpu.memory_space<vmem>>
    %dma_start3A_199 = arith.constant 0 : i32
    %dma_start3A_200 = arith.constant 0 : i32
    %dma_start3A_201 = tpu.memref_slice %arg3[%dma_start3A_199, %dma_start3A_200] : memref<800000x32xf32, #tpu.memory_space<hbm>> -> memref<800000x32xf32, #tpu.memory_space<hbm>>
    tpu.enqueue_indirect_dma source(%dma_start3A_201 : memref<800000x32xf32, #tpu.memory_space<hbm>>) target(%arg9 : memref<128x32xf32, #tpu.memory_space<vmem>>) offsets(%dma_start3A_198 : memref<128xi32, #tpu.memory_space<vmem>>) semaphore(%arg10 : memref<!tpu.dma_semaphore, #tpu.memory_space<semaphore_mem>>)
    %dma_wait3A_202 = arith.constant 1152 : i32
    %dma_wait3A_203 = tpu.memref_slice %arg5[%dma_wait3A_202] : memref<4096xi32, #tpu.memory_space<vmem>> -> memref<128xi32, #tpu.memory_space<vmem>>
    %dma_wait3A_204 = arith.constant 0 : i32
    %dma_wait3A_205 = arith.constant 0 : i32
    %dma_wait3A_206 = tpu.memref_slice %arg3[%dma_wait3A_204, %dma_wait3A_205] : memref<800000x32xf32, #tpu.memory_space<hbm>> -> memref<800000x32xf32, #tpu.memory_space<hbm>>
    tpu.wait_indirect_dma semaphore(%arg10 : memref<!tpu.dma_semaphore, #tpu.memory_space<semaphore_mem>>) src(%dma_wait3A_206 : memref<800000x32xf32, #tpu.memory_space<hbm>>) dst(%arg7 : memref<128x32xf32, #tpu.memory_space<vmem>>)
    %add3A_207 = arith.constant 1152 : i32
    %add3A_208 = arith.addi %mul3A_2, %add3A_207 : i32
    %dma_start3A_209 = arith.constant 0 : i32
    %dma_start3A_210 = tpu.memref_slice %arg4[%add3A_208, %dma_start3A_209] : memref<131072x32xf32, #tpu.memory_space<hbm>> -> memref<128x32xf32, #tpu.memory_space<hbm>>
    %dma_start3A_211 = arith.constant 0 : i32
    %dma_start3A_212 = tpu.memref_slice %arg4[%add3A_208, %dma_start3A_211] : memref<131072x32xf32, #tpu.memory_space<hbm>> -> memref<128x32xf32, #tpu.memory_space<hbm>>
    tpu.enqueue_dma source(%arg7 : memref<128x32xf32, #tpu.memory_space<vmem>>) target(%dma_start3A_212 : memref<128x32xf32, #tpu.memory_space<hbm>>) target_semaphore(%arg11 : memref<!tpu.dma_semaphore, #tpu.memory_space<semaphore_mem>>)
    %dma_wait3A_213 = arith.constant 0 : i32
    %dma_wait3A_214 = tpu.memref_slice %arg4[%add3A_188, %dma_wait3A_213] : memref<131072x32xf32, #tpu.memory_space<hbm>> -> memref<128x32xf32, #tpu.memory_space<hbm>>
    %dma_wait3A_215 = arith.constant 0 : i32
    %dma_wait3A_216 = tpu.memref_slice %arg4[%add3A_188, %dma_wait3A_215] : memref<131072x32xf32, #tpu.memory_space<hbm>> -> memref<128x32xf32, #tpu.memory_space<hbm>>
    tpu.wait_dma2 semaphore(%arg11 : memref<!tpu.dma_semaphore, #tpu.memory_space<semaphore_mem>>) src(%arg6 : memref<128x32xf32, #tpu.memory_space<vmem>>) dst(%dma_wait3A_216 : memref<128x32xf32, #tpu.memory_space<hbm>>)
    %dma_start3A_217 = arith.constant 1536 : i32
    %dma_start3A_218 = tpu.memref_slice %arg5[%dma_start3A_217] : memref<4096xi32, #tpu.memory_space<vmem>> -> memref<128xi32, #tpu.memory_space<vmem>>
    %dma_start3A_219 = arith.constant 0 : i32
    %dma_start3A_220 = arith.constant 0 : i32
    %dma_start3A_221 = tpu.memref_slice %arg3[%dma_start3A_219, %dma_start3A_220] : memref<800000x32xf32, #tpu.memory_space<hbm>> -> memref<800000x32xf32, #tpu.memory_space<hbm>>
    tpu.enqueue_indirect_dma source(%dma_start3A_221 : memref<800000x32xf32, #tpu.memory_space<hbm>>) target(%arg6 : memref<128x32xf32, #tpu.memory_space<vmem>>) offsets(%dma_start3A_218 : memref<128xi32, #tpu.memory_space<vmem>>) semaphore(%arg10 : memref<!tpu.dma_semaphore, #tpu.memory_space<semaphore_mem>>)
    %dma_wait3A_222 = arith.constant 1280 : i32
    %dma_wait3A_223 = tpu.memref_slice %arg5[%dma_wait3A_222] : memref<4096xi32, #tpu.memory_space<vmem>> -> memref<128xi32, #tpu.memory_space<vmem>>
    %dma_wait3A_224 = arith.constant 0 : i32
    %dma_wait3A_225 = arith.constant 0 : i32
    %dma_wait3A_226 = tpu.memref_slice %arg3[%dma_wait3A_224, %dma_wait3A_225] : memref<800000x32xf32, #tpu.memory_space<hbm>> -> memref<800000x32xf32, #tpu.memory_space<hbm>>
    tpu.wait_indirect_dma semaphore(%arg10 : memref<!tpu.dma_semaphore, #tpu.memory_space<semaphore_mem>>) src(%dma_wait3A_226 : memref<800000x32xf32, #tpu.memory_space<hbm>>) dst(%arg8 : memref<128x32xf32, #tpu.memory_space<vmem>>)
    %add3A_227 = arith.constant 1280 : i32
    %add3A_228 = arith.addi %mul3A_2, %add3A_227 : i32
    %dma_start3A_229 = arith.constant 0 : i32
    %dma_start3A_230 = tpu.memref_slice %arg4[%add3A_228, %dma_start3A_229] : memref<131072x32xf32, #tpu.memory_space<hbm>> -> memref<128x32xf32, #tpu.memory_space<hbm>>
    %dma_start3A_231 = arith.constant 0 : i32
    %dma_start3A_232 = tpu.memref_slice %arg4[%add3A_228, %dma_start3A_231] : memref<131072x32xf32, #tpu.memory_space<hbm>> -> memref<128x32xf32, #tpu.memory_space<hbm>>
    tpu.enqueue_dma source(%arg8 : memref<128x32xf32, #tpu.memory_space<vmem>>) target(%dma_start3A_232 : memref<128x32xf32, #tpu.memory_space<hbm>>) target_semaphore(%arg11 : memref<!tpu.dma_semaphore, #tpu.memory_space<semaphore_mem>>)
    %dma_wait3A_233 = arith.constant 0 : i32
    %dma_wait3A_234 = tpu.memref_slice %arg4[%add3A_208, %dma_wait3A_233] : memref<131072x32xf32, #tpu.memory_space<hbm>> -> memref<128x32xf32, #tpu.memory_space<hbm>>
    %dma_wait3A_235 = arith.constant 0 : i32
    %dma_wait3A_236 = tpu.memref_slice %arg4[%add3A_208, %dma_wait3A_235] : memref<131072x32xf32, #tpu.memory_space<hbm>> -> memref<128x32xf32, #tpu.memory_space<hbm>>
    tpu.wait_dma2 semaphore(%arg11 : memref<!tpu.dma_semaphore, #tpu.memory_space<semaphore_mem>>) src(%arg7 : memref<128x32xf32, #tpu.memory_space<vmem>>) dst(%dma_wait3A_236 : memref<128x32xf32, #tpu.memory_space<hbm>>)
    %dma_start3A_237 = arith.constant 1664 : i32
    %dma_start3A_238 = tpu.memref_slice %arg5[%dma_start3A_237] : memref<4096xi32, #tpu.memory_space<vmem>> -> memref<128xi32, #tpu.memory_space<vmem>>
    %dma_start3A_239 = arith.constant 0 : i32
    %dma_start3A_240 = arith.constant 0 : i32
    %dma_start3A_241 = tpu.memref_slice %arg3[%dma_start3A_239, %dma_start3A_240] : memref<800000x32xf32, #tpu.memory_space<hbm>> -> memref<800000x32xf32, #tpu.memory_space<hbm>>
    tpu.enqueue_indirect_dma source(%dma_start3A_241 : memref<800000x32xf32, #tpu.memory_space<hbm>>) target(%arg7 : memref<128x32xf32, #tpu.memory_space<vmem>>) offsets(%dma_start3A_238 : memref<128xi32, #tpu.memory_space<vmem>>) semaphore(%arg10 : memref<!tpu.dma_semaphore, #tpu.memory_space<semaphore_mem>>)
    %dma_wait3A_242 = arith.constant 1408 : i32
    %dma_wait3A_243 = tpu.memref_slice %arg5[%dma_wait3A_242] : memref<4096xi32, #tpu.memory_space<vmem>> -> memref<128xi32, #tpu.memory_space<vmem>>
    %dma_wait3A_244 = arith.constant 0 : i32
    %dma_wait3A_245 = arith.constant 0 : i32
    %dma_wait3A_246 = tpu.memref_slice %arg3[%dma_wait3A_244, %dma_wait3A_245] : memref<800000x32xf32, #tpu.memory_space<hbm>> -> memref<800000x32xf32, #tpu.memory_space<hbm>>
    tpu.wait_indirect_dma semaphore(%arg10 : memref<!tpu.dma_semaphore, #tpu.memory_space<semaphore_mem>>) src(%dma_wait3A_246 : memref<800000x32xf32, #tpu.memory_space<hbm>>) dst(%arg9 : memref<128x32xf32, #tpu.memory_space<vmem>>)
    %add3A_247 = arith.constant 1408 : i32
    %add3A_248 = arith.addi %mul3A_2, %add3A_247 : i32
    %dma_start3A_249 = arith.constant 0 : i32
    %dma_start3A_250 = tpu.memref_slice %arg4[%add3A_248, %dma_start3A_249] : memref<131072x32xf32, #tpu.memory_space<hbm>> -> memref<128x32xf32, #tpu.memory_space<hbm>>
    %dma_start3A_251 = arith.constant 0 : i32
    %dma_start3A_252 = tpu.memref_slice %arg4[%add3A_248, %dma_start3A_251] : memref<131072x32xf32, #tpu.memory_space<hbm>> -> memref<128x32xf32, #tpu.memory_space<hbm>>
    tpu.enqueue_dma source(%arg9 : memref<128x32xf32, #tpu.memory_space<vmem>>) target(%dma_start3A_252 : memref<128x32xf32, #tpu.memory_space<hbm>>) target_semaphore(%arg11 : memref<!tpu.dma_semaphore, #tpu.memory_space<semaphore_mem>>)
    %dma_wait3A_253 = arith.constant 0 : i32
    %dma_wait3A_254 = tpu.memref_slice %arg4[%add3A_228, %dma_wait3A_253] : memref<131072x32xf32, #tpu.memory_space<hbm>> -> memref<128x32xf32, #tpu.memory_space<hbm>>
    %dma_wait3A_255 = arith.constant 0 : i32
    %dma_wait3A_256 = tpu.memref_slice %arg4[%add3A_228, %dma_wait3A_255] : memref<131072x32xf32, #tpu.memory_space<hbm>> -> memref<128x32xf32, #tpu.memory_space<hbm>>
    tpu.wait_dma2 semaphore(%arg11 : memref<!tpu.dma_semaphore, #tpu.memory_space<semaphore_mem>>) src(%arg8 : memref<128x32xf32, #tpu.memory_space<vmem>>) dst(%dma_wait3A_256 : memref<128x32xf32, #tpu.memory_space<hbm>>)
    %dma_start3A_257 = arith.constant 1792 : i32
    %dma_start3A_258 = tpu.memref_slice %arg5[%dma_start3A_257] : memref<4096xi32, #tpu.memory_space<vmem>> -> memref<128xi32, #tpu.memory_space<vmem>>
    %dma_start3A_259 = arith.constant 0 : i32
    %dma_start3A_260 = arith.constant 0 : i32
    %dma_start3A_261 = tpu.memref_slice %arg3[%dma_start3A_259, %dma_start3A_260] : memref<800000x32xf32, #tpu.memory_space<hbm>> -> memref<800000x32xf32, #tpu.memory_space<hbm>>
    tpu.enqueue_indirect_dma source(%dma_start3A_261 : memref<800000x32xf32, #tpu.memory_space<hbm>>) target(%arg8 : memref<128x32xf32, #tpu.memory_space<vmem>>) offsets(%dma_start3A_258 : memref<128xi32, #tpu.memory_space<vmem>>) semaphore(%arg10 : memref<!tpu.dma_semaphore, #tpu.memory_space<semaphore_mem>>)
    %dma_wait3A_262 = arith.constant 1536 : i32
    %dma_wait3A_263 = tpu.memref_slice %arg5[%dma_wait3A_262] : memref<4096xi32, #tpu.memory_space<vmem>> -> memref<128xi32, #tpu.memory_space<vmem>>
    %dma_wait3A_264 = arith.constant 0 : i32
    %dma_wait3A_265 = arith.constant 0 : i32
    %dma_wait3A_266 = tpu.memref_slice %arg3[%dma_wait3A_264, %dma_wait3A_265] : memref<800000x32xf32, #tpu.memory_space<hbm>> -> memref<800000x32xf32, #tpu.memory_space<hbm>>
    tpu.wait_indirect_dma semaphore(%arg10 : memref<!tpu.dma_semaphore, #tpu.memory_space<semaphore_mem>>) src(%dma_wait3A_266 : memref<800000x32xf32, #tpu.memory_space<hbm>>) dst(%arg6 : memref<128x32xf32, #tpu.memory_space<vmem>>)
    %add3A_267 = arith.constant 1536 : i32
    %add3A_268 = arith.addi %mul3A_2, %add3A_267 : i32
    %dma_start3A_269 = arith.constant 0 : i32
    %dma_start3A_270 = tpu.memref_slice %arg4[%add3A_268, %dma_start3A_269] : memref<131072x32xf32, #tpu.memory_space<hbm>> -> memref<128x32xf32, #tpu.memory_space<hbm>>
    %dma_start3A_271 = arith.constant 0 : i32
    %dma_start3A_272 = tpu.memref_slice %arg4[%add3A_268, %dma_start3A_271] : memref<131072x32xf32, #tpu.memory_space<hbm>> -> memref<128x32xf32, #tpu.memory_space<hbm>>
    tpu.enqueue_dma source(%arg6 : memref<128x32xf32, #tpu.memory_space<vmem>>) target(%dma_start3A_272 : memref<128x32xf32, #tpu.memory_space<hbm>>) target_semaphore(%arg11 : memref<!tpu.dma_semaphore, #tpu.memory_space<semaphore_mem>>)
    %dma_wait3A_273 = arith.constant 0 : i32
    %dma_wait3A_274 = tpu.memref_slice %arg4[%add3A_248, %dma_wait3A_273] : memref<131072x32xf32, #tpu.memory_space<hbm>> -> memref<128x32xf32, #tpu.memory_space<hbm>>
    %dma_wait3A_275 = arith.constant 0 : i32
    %dma_wait3A_276 = tpu.memref_slice %arg4[%add3A_248, %dma_wait3A_275] : memref<131072x32xf32, #tpu.memory_space<hbm>> -> memref<128x32xf32, #tpu.memory_space<hbm>>
    tpu.wait_dma2 semaphore(%arg11 : memref<!tpu.dma_semaphore, #tpu.memory_space<semaphore_mem>>) src(%arg9 : memref<128x32xf32, #tpu.memory_space<vmem>>) dst(%dma_wait3A_276 : memref<128x32xf32, #tpu.memory_space<hbm>>)
    %dma_start3A_277 = arith.constant 1920 : i32
    %dma_start3A_278 = tpu.memref_slice %arg5[%dma_start3A_277] : memref<4096xi32, #tpu.memory_space<vmem>> -> memref<128xi32, #tpu.memory_space<vmem>>
    %dma_start3A_279 = arith.constant 0 : i32
    %dma_start3A_280 = arith.constant 0 : i32
    %dma_start3A_281 = tpu.memref_slice %arg3[%dma_start3A_279, %dma_start3A_280] : memref<800000x32xf32, #tpu.memory_space<hbm>> -> memref<800000x32xf32, #tpu.memory_space<hbm>>
    tpu.enqueue_indirect_dma source(%dma_start3A_281 : memref<800000x32xf32, #tpu.memory_space<hbm>>) target(%arg9 : memref<128x32xf32, #tpu.memory_space<vmem>>) offsets(%dma_start3A_278 : memref<128xi32, #tpu.memory_space<vmem>>) semaphore(%arg10 : memref<!tpu.dma_semaphore, #tpu.memory_space<semaphore_mem>>)
    %dma_wait3A_282 = arith.constant 1664 : i32
    %dma_wait3A_283 = tpu.memref_slice %arg5[%dma_wait3A_282] : memref<4096xi32, #tpu.memory_space<vmem>> -> memref<128xi32, #tpu.memory_space<vmem>>
    %dma_wait3A_284 = arith.constant 0 : i32
    %dma_wait3A_285 = arith.constant 0 : i32
    %dma_wait3A_286 = tpu.memref_slice %arg3[%dma_wait3A_284, %dma_wait3A_285] : memref<800000x32xf32, #tpu.memory_space<hbm>> -> memref<800000x32xf32, #tpu.memory_space<hbm>>
    tpu.wait_indirect_dma semaphore(%arg10 : memref<!tpu.dma_semaphore, #tpu.memory_space<semaphore_mem>>) src(%dma_wait3A_286 : memref<800000x32xf32, #tpu.memory_space<hbm>>) dst(%arg7 : memref<128x32xf32, #tpu.memory_space<vmem>>)
    %add3A_287 = arith.constant 1664 : i32
    %add3A_288 = arith.addi %mul3A_2, %add3A_287 : i32
    %dma_start3A_289 = arith.constant 0 : i32
    %dma_start3A_290 = tpu.memref_slice %arg4[%add3A_288, %dma_start3A_289] : memref<131072x32xf32, #tpu.memory_space<hbm>> -> memref<128x32xf32, #tpu.memory_space<hbm>>
    %dma_start3A_291 = arith.constant 0 : i32
    %dma_start3A_292 = tpu.memref_slice %arg4[%add3A_288, %dma_start3A_291] : memref<131072x32xf32, #tpu.memory_space<hbm>> -> memref<128x32xf32, #tpu.memory_space<hbm>>
    tpu.enqueue_dma source(%arg7 : memref<128x32xf32, #tpu.memory_space<vmem>>) target(%dma_start3A_292 : memref<128x32xf32, #tpu.memory_space<hbm>>) target_semaphore(%arg11 : memref<!tpu.dma_semaphore, #tpu.memory_space<semaphore_mem>>)
    %dma_wait3A_293 = arith.constant 0 : i32
    %dma_wait3A_294 = tpu.memref_slice %arg4[%add3A_268, %dma_wait3A_293] : memref<131072x32xf32, #tpu.memory_space<hbm>> -> memref<128x32xf32, #tpu.memory_space<hbm>>
    %dma_wait3A_295 = arith.constant 0 : i32
    %dma_wait3A_296 = tpu.memref_slice %arg4[%add3A_268, %dma_wait3A_295] : memref<131072x32xf32, #tpu.memory_space<hbm>> -> memref<128x32xf32, #tpu.memory_space<hbm>>
    tpu.wait_dma2 semaphore(%arg11 : memref<!tpu.dma_semaphore, #tpu.memory_space<semaphore_mem>>) src(%arg6 : memref<128x32xf32, #tpu.memory_space<vmem>>) dst(%dma_wait3A_296 : memref<128x32xf32, #tpu.memory_space<hbm>>)
    %dma_start3A_297 = arith.constant 2048 : i32
    %dma_start3A_298 = tpu.memref_slice %arg5[%dma_start3A_297] : memref<4096xi32, #tpu.memory_space<vmem>> -> memref<128xi32, #tpu.memory_space<vmem>>
    %dma_start3A_299 = arith.constant 0 : i32
    %dma_start3A_300 = arith.constant 0 : i32
    %dma_start3A_301 = tpu.memref_slice %arg3[%dma_start3A_299, %dma_start3A_300] : memref<800000x32xf32, #tpu.memory_space<hbm>> -> memref<800000x32xf32, #tpu.memory_space<hbm>>
    tpu.enqueue_indirect_dma source(%dma_start3A_301 : memref<800000x32xf32, #tpu.memory_space<hbm>>) target(%arg6 : memref<128x32xf32, #tpu.memory_space<vmem>>) offsets(%dma_start3A_298 : memref<128xi32, #tpu.memory_space<vmem>>) semaphore(%arg10 : memref<!tpu.dma_semaphore, #tpu.memory_space<semaphore_mem>>)
    %dma_wait3A_302 = arith.constant 1792 : i32
    %dma_wait3A_303 = tpu.memref_slice %arg5[%dma_wait3A_302] : memref<4096xi32, #tpu.memory_space<vmem>> -> memref<128xi32, #tpu.memory_space<vmem>>
    %dma_wait3A_304 = arith.constant 0 : i32
    %dma_wait3A_305 = arith.constant 0 : i32
    %dma_wait3A_306 = tpu.memref_slice %arg3[%dma_wait3A_304, %dma_wait3A_305] : memref<800000x32xf32, #tpu.memory_space<hbm>> -> memref<800000x32xf32, #tpu.memory_space<hbm>>
    tpu.wait_indirect_dma semaphore(%arg10 : memref<!tpu.dma_semaphore, #tpu.memory_space<semaphore_mem>>) src(%dma_wait3A_306 : memref<800000x32xf32, #tpu.memory_space<hbm>>) dst(%arg8 : memref<128x32xf32, #tpu.memory_space<vmem>>)
    %add3A_307 = arith.constant 1792 : i32
    %add3A_308 = arith.addi %mul3A_2, %add3A_307 : i32
    %dma_start3A_309 = arith.constant 0 : i32
    %dma_start3A_310 = tpu.memref_slice %arg4[%add3A_308, %dma_start3A_309] : memref<131072x32xf32, #tpu.memory_space<hbm>> -> memref<128x32xf32, #tpu.memory_space<hbm>>
    %dma_start3A_311 = arith.constant 0 : i32
    %dma_start3A_312 = tpu.memref_slice %arg4[%add3A_308, %dma_start3A_311] : memref<131072x32xf32, #tpu.memory_space<hbm>> -> memref<128x32xf32, #tpu.memory_space<hbm>>
    tpu.enqueue_dma source(%arg8 : memref<128x32xf32, #tpu.memory_space<vmem>>) target(%dma_start3A_312 : memref<128x32xf32, #tpu.memory_space<hbm>>) target_semaphore(%arg11 : memref<!tpu.dma_semaphore, #tpu.memory_space<semaphore_mem>>)
    %dma_wait3A_313 = arith.constant 0 : i32
    %dma_wait3A_314 = tpu.memref_slice %arg4[%add3A_288, %dma_wait3A_313] : memref<131072x32xf32, #tpu.memory_space<hbm>> -> memref<128x32xf32, #tpu.memory_space<hbm>>
    %dma_wait3A_315 = arith.constant 0 : i32
    %dma_wait3A_316 = tpu.memref_slice %arg4[%add3A_288, %dma_wait3A_315] : memref<131072x32xf32, #tpu.memory_space<hbm>> -> memref<128x32xf32, #tpu.memory_space<hbm>>
    tpu.wait_dma2 semaphore(%arg11 : memref<!tpu.dma_semaphore, #tpu.memory_space<semaphore_mem>>) src(%arg7 : memref<128x32xf32, #tpu.memory_space<vmem>>) dst(%dma_wait3A_316 : memref<128x32xf32, #tpu.memory_space<hbm>>)
    %dma_start3A_317 = arith.constant 2176 : i32
    %dma_start3A_318 = tpu.memref_slice %arg5[%dma_start3A_317] : memref<4096xi32, #tpu.memory_space<vmem>> -> memref<128xi32, #tpu.memory_space<vmem>>
    %dma_start3A_319 = arith.constant 0 : i32
    %dma_start3A_320 = arith.constant 0 : i32
    %dma_start3A_321 = tpu.memref_slice %arg3[%dma_start3A_319, %dma_start3A_320] : memref<800000x32xf32, #tpu.memory_space<hbm>> -> memref<800000x32xf32, #tpu.memory_space<hbm>>
    tpu.enqueue_indirect_dma source(%dma_start3A_321 : memref<800000x32xf32, #tpu.memory_space<hbm>>) target(%arg7 : memref<128x32xf32, #tpu.memory_space<vmem>>) offsets(%dma_start3A_318 : memref<128xi32, #tpu.memory_space<vmem>>) semaphore(%arg10 : memref<!tpu.dma_semaphore, #tpu.memory_space<semaphore_mem>>)
    %dma_wait3A_322 = arith.constant 1920 : i32
    %dma_wait3A_323 = tpu.memref_slice %arg5[%dma_wait3A_322] : memref<4096xi32, #tpu.memory_space<vmem>> -> memref<128xi32, #tpu.memory_space<vmem>>
    %dma_wait3A_324 = arith.constant 0 : i32
    %dma_wait3A_325 = arith.constant 0 : i32
    %dma_wait3A_326 = tpu.memref_slice %arg3[%dma_wait3A_324, %dma_wait3A_325] : memref<800000x32xf32, #tpu.memory_space<hbm>> -> memref<800000x32xf32, #tpu.memory_space<hbm>>
    tpu.wait_indirect_dma semaphore(%arg10 : memref<!tpu.dma_semaphore, #tpu.memory_space<semaphore_mem>>) src(%dma_wait3A_326 : memref<800000x32xf32, #tpu.memory_space<hbm>>) dst(%arg9 : memref<128x32xf32, #tpu.memory_space<vmem>>)
    %add3A_327 = arith.constant 1920 : i32
    %add3A_328 = arith.addi %mul3A_2, %add3A_327 : i32
    %dma_start3A_329 = arith.constant 0 : i32
    %dma_start3A_330 = tpu.memref_slice %arg4[%add3A_328, %dma_start3A_329] : memref<131072x32xf32, #tpu.memory_space<hbm>> -> memref<128x32xf32, #tpu.memory_space<hbm>>
    %dma_start3A_331 = arith.constant 0 : i32
    %dma_start3A_332 = tpu.memref_slice %arg4[%add3A_328, %dma_start3A_331] : memref<131072x32xf32, #tpu.memory_space<hbm>> -> memref<128x32xf32, #tpu.memory_space<hbm>>
    tpu.enqueue_dma source(%arg9 : memref<128x32xf32, #tpu.memory_space<vmem>>) target(%dma_start3A_332 : memref<128x32xf32, #tpu.memory_space<hbm>>) target_semaphore(%arg11 : memref<!tpu.dma_semaphore, #tpu.memory_space<semaphore_mem>>)
    %dma_wait3A_333 = arith.constant 0 : i32
    %dma_wait3A_334 = tpu.memref_slice %arg4[%add3A_308, %dma_wait3A_333] : memref<131072x32xf32, #tpu.memory_space<hbm>> -> memref<128x32xf32, #tpu.memory_space<hbm>>
    %dma_wait3A_335 = arith.constant 0 : i32
    %dma_wait3A_336 = tpu.memref_slice %arg4[%add3A_308, %dma_wait3A_335] : memref<131072x32xf32, #tpu.memory_space<hbm>> -> memref<128x32xf32, #tpu.memory_space<hbm>>
    tpu.wait_dma2 semaphore(%arg11 : memref<!tpu.dma_semaphore, #tpu.memory_space<semaphore_mem>>) src(%arg8 : memref<128x32xf32, #tpu.memory_space<vmem>>) dst(%dma_wait3A_336 : memref<128x32xf32, #tpu.memory_space<hbm>>)
    %dma_start3A_337 = arith.constant 2304 : i32
    %dma_start3A_338 = tpu.memref_slice %arg5[%dma_start3A_337] : memref<4096xi32, #tpu.memory_space<vmem>> -> memref<128xi32, #tpu.memory_space<vmem>>
    %dma_start3A_339 = arith.constant 0 : i32
    %dma_start3A_340 = arith.constant 0 : i32
    %dma_start3A_341 = tpu.memref_slice %arg3[%dma_start3A_339, %dma_start3A_340] : memref<800000x32xf32, #tpu.memory_space<hbm>> -> memref<800000x32xf32, #tpu.memory_space<hbm>>
    tpu.enqueue_indirect_dma source(%dma_start3A_341 : memref<800000x32xf32, #tpu.memory_space<hbm>>) target(%arg8 : memref<128x32xf32, #tpu.memory_space<vmem>>) offsets(%dma_start3A_338 : memref<128xi32, #tpu.memory_space<vmem>>) semaphore(%arg10 : memref<!tpu.dma_semaphore, #tpu.memory_space<semaphore_mem>>)
    %dma_wait3A_342 = arith.constant 2048 : i32
    %dma_wait3A_343 = tpu.memref_slice %arg5[%dma_wait3A_342] : memref<4096xi32, #tpu.memory_space<vmem>> -> memref<128xi32, #tpu.memory_space<vmem>>
    %dma_wait3A_344 = arith.constant 0 : i32
    %dma_wait3A_345 = arith.constant 0 : i32
    %dma_wait3A_346 = tpu.memref_slice %arg3[%dma_wait3A_344, %dma_wait3A_345] : memref<800000x32xf32, #tpu.memory_space<hbm>> -> memref<800000x32xf32, #tpu.memory_space<hbm>>
    tpu.wait_indirect_dma semaphore(%arg10 : memref<!tpu.dma_semaphore, #tpu.memory_space<semaphore_mem>>) src(%dma_wait3A_346 : memref<800000x32xf32, #tpu.memory_space<hbm>>) dst(%arg6 : memref<128x32xf32, #tpu.memory_space<vmem>>)
    %add3A_347 = arith.constant 2048 : i32
    %add3A_348 = arith.addi %mul3A_2, %add3A_347 : i32
    %dma_start3A_349 = arith.constant 0 : i32
    %dma_start3A_350 = tpu.memref_slice %arg4[%add3A_348, %dma_start3A_349] : memref<131072x32xf32, #tpu.memory_space<hbm>> -> memref<128x32xf32, #tpu.memory_space<hbm>>
    %dma_start3A_351 = arith.constant 0 : i32
    %dma_start3A_352 = tpu.memref_slice %arg4[%add3A_348, %dma_start3A_351] : memref<131072x32xf32, #tpu.memory_space<hbm>> -> memref<128x32xf32, #tpu.memory_space<hbm>>
    tpu.enqueue_dma source(%arg6 : memref<128x32xf32, #tpu.memory_space<vmem>>) target(%dma_start3A_352 : memref<128x32xf32, #tpu.memory_space<hbm>>) target_semaphore(%arg11 : memref<!tpu.dma_semaphore, #tpu.memory_space<semaphore_mem>>)
    %dma_wait3A_353 = arith.constant 0 : i32
    %dma_wait3A_354 = tpu.memref_slice %arg4[%add3A_328, %dma_wait3A_353] : memref<131072x32xf32, #tpu.memory_space<hbm>> -> memref<128x32xf32, #tpu.memory_space<hbm>>
    %dma_wait3A_355 = arith.constant 0 : i32
    %dma_wait3A_356 = tpu.memref_slice %arg4[%add3A_328, %dma_wait3A_355] : memref<131072x32xf32, #tpu.memory_space<hbm>> -> memref<128x32xf32, #tpu.memory_space<hbm>>
    tpu.wait_dma2 semaphore(%arg11 : memref<!tpu.dma_semaphore, #tpu.memory_space<semaphore_mem>>) src(%arg9 : memref<128x32xf32, #tpu.memory_space<vmem>>) dst(%dma_wait3A_356 : memref<128x32xf32, #tpu.memory_space<hbm>>)
    %dma_start3A_357 = arith.constant 2432 : i32
    %dma_start3A_358 = tpu.memref_slice %arg5[%dma_start3A_357] : memref<4096xi32, #tpu.memory_space<vmem>> -> memref<128xi32, #tpu.memory_space<vmem>>
    %dma_start3A_359 = arith.constant 0 : i32
    %dma_start3A_360 = arith.constant 0 : i32
    %dma_start3A_361 = tpu.memref_slice %arg3[%dma_start3A_359, %dma_start3A_360] : memref<800000x32xf32, #tpu.memory_space<hbm>> -> memref<800000x32xf32, #tpu.memory_space<hbm>>
    tpu.enqueue_indirect_dma source(%dma_start3A_361 : memref<800000x32xf32, #tpu.memory_space<hbm>>) target(%arg9 : memref<128x32xf32, #tpu.memory_space<vmem>>) offsets(%dma_start3A_358 : memref<128xi32, #tpu.memory_space<vmem>>) semaphore(%arg10 : memref<!tpu.dma_semaphore, #tpu.memory_space<semaphore_mem>>)
    %dma_wait3A_362 = arith.constant 2176 : i32
    %dma_wait3A_363 = tpu.memref_slice %arg5[%dma_wait3A_362] : memref<4096xi32, #tpu.memory_space<vmem>> -> memref<128xi32, #tpu.memory_space<vmem>>
    %dma_wait3A_364 = arith.constant 0 : i32
    %dma_wait3A_365 = arith.constant 0 : i32
    %dma_wait3A_366 = tpu.memref_slice %arg3[%dma_wait3A_364, %dma_wait3A_365] : memref<800000x32xf32, #tpu.memory_space<hbm>> -> memref<800000x32xf32, #tpu.memory_space<hbm>>
    tpu.wait_indirect_dma semaphore(%arg10 : memref<!tpu.dma_semaphore, #tpu.memory_space<semaphore_mem>>) src(%dma_wait3A_366 : memref<800000x32xf32, #tpu.memory_space<hbm>>) dst(%arg7 : memref<128x32xf32, #tpu.memory_space<vmem>>)
    %add3A_367 = arith.constant 2176 : i32
    %add3A_368 = arith.addi %mul3A_2, %add3A_367 : i32
    %dma_start3A_369 = arith.constant 0 : i32
    %dma_start3A_370 = tpu.memref_slice %arg4[%add3A_368, %dma_start3A_369] : memref<131072x32xf32, #tpu.memory_space<hbm>> -> memref<128x32xf32, #tpu.memory_space<hbm>>
    %dma_start3A_371 = arith.constant 0 : i32
    %dma_start3A_372 = tpu.memref_slice %arg4[%add3A_368, %dma_start3A_371] : memref<131072x32xf32, #tpu.memory_space<hbm>> -> memref<128x32xf32, #tpu.memory_space<hbm>>
    tpu.enqueue_dma source(%arg7 : memref<128x32xf32, #tpu.memory_space<vmem>>) target(%dma_start3A_372 : memref<128x32xf32, #tpu.memory_space<hbm>>) target_semaphore(%arg11 : memref<!tpu.dma_semaphore, #tpu.memory_space<semaphore_mem>>)
    %dma_wait3A_373 = arith.constant 0 : i32
    %dma_wait3A_374 = tpu.memref_slice %arg4[%add3A_348, %dma_wait3A_373] : memref<131072x32xf32, #tpu.memory_space<hbm>> -> memref<128x32xf32, #tpu.memory_space<hbm>>
    %dma_wait3A_375 = arith.constant 0 : i32
    %dma_wait3A_376 = tpu.memref_slice %arg4[%add3A_348, %dma_wait3A_375] : memref<131072x32xf32, #tpu.memory_space<hbm>> -> memref<128x32xf32, #tpu.memory_space<hbm>>
    tpu.wait_dma2 semaphore(%arg11 : memref<!tpu.dma_semaphore, #tpu.memory_space<semaphore_mem>>) src(%arg6 : memref<128x32xf32, #tpu.memory_space<vmem>>) dst(%dma_wait3A_376 : memref<128x32xf32, #tpu.memory_space<hbm>>)
    %dma_start3A_377 = arith.constant 2560 : i32
    %dma_start3A_378 = tpu.memref_slice %arg5[%dma_start3A_377] : memref<4096xi32, #tpu.memory_space<vmem>> -> memref<128xi32, #tpu.memory_space<vmem>>
    %dma_start3A_379 = arith.constant 0 : i32
    %dma_start3A_380 = arith.constant 0 : i32
    %dma_start3A_381 = tpu.memref_slice %arg3[%dma_start3A_379, %dma_start3A_380] : memref<800000x32xf32, #tpu.memory_space<hbm>> -> memref<800000x32xf32, #tpu.memory_space<hbm>>
    tpu.enqueue_indirect_dma source(%dma_start3A_381 : memref<800000x32xf32, #tpu.memory_space<hbm>>) target(%arg6 : memref<128x32xf32, #tpu.memory_space<vmem>>) offsets(%dma_start3A_378 : memref<128xi32, #tpu.memory_space<vmem>>) semaphore(%arg10 : memref<!tpu.dma_semaphore, #tpu.memory_space<semaphore_mem>>)
    %dma_wait3A_382 = arith.constant 2304 : i32
    %dma_wait3A_383 = tpu.memref_slice %arg5[%dma_wait3A_382] : memref<4096xi32, #tpu.memory_space<vmem>> -> memref<128xi32, #tpu.memory_space<vmem>>
    %dma_wait3A_384 = arith.constant 0 : i32
    %dma_wait3A_385 = arith.constant 0 : i32
    %dma_wait3A_386 = tpu.memref_slice %arg3[%dma_wait3A_384, %dma_wait3A_385] : memref<800000x32xf32, #tpu.memory_space<hbm>> -> memref<800000x32xf32, #tpu.memory_space<hbm>>
    tpu.wait_indirect_dma semaphore(%arg10 : memref<!tpu.dma_semaphore, #tpu.memory_space<semaphore_mem>>) src(%dma_wait3A_386 : memref<800000x32xf32, #tpu.memory_space<hbm>>) dst(%arg8 : memref<128x32xf32, #tpu.memory_space<vmem>>)
    %add3A_387 = arith.constant 2304 : i32
    %add3A_388 = arith.addi %mul3A_2, %add3A_387 : i32
    %dma_start3A_389 = arith.constant 0 : i32
    %dma_start3A_390 = tpu.memref_slice %arg4[%add3A_388, %dma_start3A_389] : memref<131072x32xf32, #tpu.memory_space<hbm>> -> memref<128x32xf32, #tpu.memory_space<hbm>>
    %dma_start3A_391 = arith.constant 0 : i32
    %dma_start3A_392 = tpu.memref_slice %arg4[%add3A_388, %dma_start3A_391] : memref<131072x32xf32, #tpu.memory_space<hbm>> -> memref<128x32xf32, #tpu.memory_space<hbm>>
    tpu.enqueue_dma source(%arg8 : memref<128x32xf32, #tpu.memory_space<vmem>>) target(%dma_start3A_392 : memref<128x32xf32, #tpu.memory_space<hbm>>) target_semaphore(%arg11 : memref<!tpu.dma_semaphore, #tpu.memory_space<semaphore_mem>>)
    %dma_wait3A_393 = arith.constant 0 : i32
    %dma_wait3A_394 = tpu.memref_slice %arg4[%add3A_368, %dma_wait3A_393] : memref<131072x32xf32, #tpu.memory_space<hbm>> -> memref<128x32xf32, #tpu.memory_space<hbm>>
    %dma_wait3A_395 = arith.constant 0 : i32
    %dma_wait3A_396 = tpu.memref_slice %arg4[%add3A_368, %dma_wait3A_395] : memref<131072x32xf32, #tpu.memory_space<hbm>> -> memref<128x32xf32, #tpu.memory_space<hbm>>
    tpu.wait_dma2 semaphore(%arg11 : memref<!tpu.dma_semaphore, #tpu.memory_space<semaphore_mem>>) src(%arg7 : memref<128x32xf32, #tpu.memory_space<vmem>>) dst(%dma_wait3A_396 : memref<128x32xf32, #tpu.memory_space<hbm>>)
    %dma_start3A_397 = arith.constant 2688 : i32
    %dma_start3A_398 = tpu.memref_slice %arg5[%dma_start3A_397] : memref<4096xi32, #tpu.memory_space<vmem>> -> memref<128xi32, #tpu.memory_space<vmem>>
    %dma_start3A_399 = arith.constant 0 : i32
    %dma_start3A_400 = arith.constant 0 : i32
    %dma_start3A_401 = tpu.memref_slice %arg3[%dma_start3A_399, %dma_start3A_400] : memref<800000x32xf32, #tpu.memory_space<hbm>> -> memref<800000x32xf32, #tpu.memory_space<hbm>>
    tpu.enqueue_indirect_dma source(%dma_start3A_401 : memref<800000x32xf32, #tpu.memory_space<hbm>>) target(%arg7 : memref<128x32xf32, #tpu.memory_space<vmem>>) offsets(%dma_start3A_398 : memref<128xi32, #tpu.memory_space<vmem>>) semaphore(%arg10 : memref<!tpu.dma_semaphore, #tpu.memory_space<semaphore_mem>>)
    %dma_wait3A_402 = arith.constant 2432 : i32
    %dma_wait3A_403 = tpu.memref_slice %arg5[%dma_wait3A_402] : memref<4096xi32, #tpu.memory_space<vmem>> -> memref<128xi32, #tpu.memory_space<vmem>>
    %dma_wait3A_404 = arith.constant 0 : i32
    %dma_wait3A_405 = arith.constant 0 : i32
    %dma_wait3A_406 = tpu.memref_slice %arg3[%dma_wait3A_404, %dma_wait3A_405] : memref<800000x32xf32, #tpu.memory_space<hbm>> -> memref<800000x32xf32, #tpu.memory_space<hbm>>
    tpu.wait_indirect_dma semaphore(%arg10 : memref<!tpu.dma_semaphore, #tpu.memory_space<semaphore_mem>>) src(%dma_wait3A_406 : memref<800000x32xf32, #tpu.memory_space<hbm>>) dst(%arg9 : memref<128x32xf32, #tpu.memory_space<vmem>>)
    %add3A_407 = arith.constant 2432 : i32
    %add3A_408 = arith.addi %mul3A_2, %add3A_407 : i32
    %dma_start3A_409 = arith.constant 0 : i32
    %dma_start3A_410 = tpu.memref_slice %arg4[%add3A_408, %dma_start3A_409] : memref<131072x32xf32, #tpu.memory_space<hbm>> -> memref<128x32xf32, #tpu.memory_space<hbm>>
    %dma_start3A_411 = arith.constant 0 : i32
    %dma_start3A_412 = tpu.memref_slice %arg4[%add3A_408, %dma_start3A_411] : memref<131072x32xf32, #tpu.memory_space<hbm>> -> memref<128x32xf32, #tpu.memory_space<hbm>>
    tpu.enqueue_dma source(%arg9 : memref<128x32xf32, #tpu.memory_space<vmem>>) target(%dma_start3A_412 : memref<128x32xf32, #tpu.memory_space<hbm>>) target_semaphore(%arg11 : memref<!tpu.dma_semaphore, #tpu.memory_space<semaphore_mem>>)
    %dma_wait3A_413 = arith.constant 0 : i32
    %dma_wait3A_414 = tpu.memref_slice %arg4[%add3A_388, %dma_wait3A_413] : memref<131072x32xf32, #tpu.memory_space<hbm>> -> memref<128x32xf32, #tpu.memory_space<hbm>>
    %dma_wait3A_415 = arith.constant 0 : i32
    %dma_wait3A_416 = tpu.memref_slice %arg4[%add3A_388, %dma_wait3A_415] : memref<131072x32xf32, #tpu.memory_space<hbm>> -> memref<128x32xf32, #tpu.memory_space<hbm>>
    tpu.wait_dma2 semaphore(%arg11 : memref<!tpu.dma_semaphore, #tpu.memory_space<semaphore_mem>>) src(%arg8 : memref<128x32xf32, #tpu.memory_space<vmem>>) dst(%dma_wait3A_416 : memref<128x32xf32, #tpu.memory_space<hbm>>)
    %dma_start3A_417 = arith.constant 2816 : i32
    %dma_start3A_418 = tpu.memref_slice %arg5[%dma_start3A_417] : memref<4096xi32, #tpu.memory_space<vmem>> -> memref<128xi32, #tpu.memory_space<vmem>>
    %dma_start3A_419 = arith.constant 0 : i32
    %dma_start3A_420 = arith.constant 0 : i32
    %dma_start3A_421 = tpu.memref_slice %arg3[%dma_start3A_419, %dma_start3A_420] : memref<800000x32xf32, #tpu.memory_space<hbm>> -> memref<800000x32xf32, #tpu.memory_space<hbm>>
    tpu.enqueue_indirect_dma source(%dma_start3A_421 : memref<800000x32xf32, #tpu.memory_space<hbm>>) target(%arg8 : memref<128x32xf32, #tpu.memory_space<vmem>>) offsets(%dma_start3A_418 : memref<128xi32, #tpu.memory_space<vmem>>) semaphore(%arg10 : memref<!tpu.dma_semaphore, #tpu.memory_space<semaphore_mem>>)
    %dma_wait3A_422 = arith.constant 2560 : i32
    %dma_wait3A_423 = tpu.memref_slice %arg5[%dma_wait3A_422] : memref<4096xi32, #tpu.memory_space<vmem>> -> memref<128xi32, #tpu.memory_space<vmem>>
    %dma_wait3A_424 = arith.constant 0 : i32
    %dma_wait3A_425 = arith.constant 0 : i32
    %dma_wait3A_426 = tpu.memref_slice %arg3[%dma_wait3A_424, %dma_wait3A_425] : memref<800000x32xf32, #tpu.memory_space<hbm>> -> memref<800000x32xf32, #tpu.memory_space<hbm>>
    tpu.wait_indirect_dma semaphore(%arg10 : memref<!tpu.dma_semaphore, #tpu.memory_space<semaphore_mem>>) src(%dma_wait3A_426 : memref<800000x32xf32, #tpu.memory_space<hbm>>) dst(%arg6 : memref<128x32xf32, #tpu.memory_space<vmem>>)
    %add3A_427 = arith.constant 2560 : i32
    %add3A_428 = arith.addi %mul3A_2, %add3A_427 : i32
    %dma_start3A_429 = arith.constant 0 : i32
    %dma_start3A_430 = tpu.memref_slice %arg4[%add3A_428, %dma_start3A_429] : memref<131072x32xf32, #tpu.memory_space<hbm>> -> memref<128x32xf32, #tpu.memory_space<hbm>>
    %dma_start3A_431 = arith.constant 0 : i32
    %dma_start3A_432 = tpu.memref_slice %arg4[%add3A_428, %dma_start3A_431] : memref<131072x32xf32, #tpu.memory_space<hbm>> -> memref<128x32xf32, #tpu.memory_space<hbm>>
    tpu.enqueue_dma source(%arg6 : memref<128x32xf32, #tpu.memory_space<vmem>>) target(%dma_start3A_432 : memref<128x32xf32, #tpu.memory_space<hbm>>) target_semaphore(%arg11 : memref<!tpu.dma_semaphore, #tpu.memory_space<semaphore_mem>>)
    %dma_wait3A_433 = arith.constant 0 : i32
    %dma_wait3A_434 = tpu.memref_slice %arg4[%add3A_408, %dma_wait3A_433] : memref<131072x32xf32, #tpu.memory_space<hbm>> -> memref<128x32xf32, #tpu.memory_space<hbm>>
    %dma_wait3A_435 = arith.constant 0 : i32
    %dma_wait3A_436 = tpu.memref_slice %arg4[%add3A_408, %dma_wait3A_435] : memref<131072x32xf32, #tpu.memory_space<hbm>> -> memref<128x32xf32, #tpu.memory_space<hbm>>
    tpu.wait_dma2 semaphore(%arg11 : memref<!tpu.dma_semaphore, #tpu.memory_space<semaphore_mem>>) src(%arg9 : memref<128x32xf32, #tpu.memory_space<vmem>>) dst(%dma_wait3A_436 : memref<128x32xf32, #tpu.memory_space<hbm>>)
    %dma_start3A_437 = arith.constant 2944 : i32
    %dma_start3A_438 = tpu.memref_slice %arg5[%dma_start3A_437] : memref<4096xi32, #tpu.memory_space<vmem>> -> memref<128xi32, #tpu.memory_space<vmem>>
    %dma_start3A_439 = arith.constant 0 : i32
    %dma_start3A_440 = arith.constant 0 : i32
    %dma_start3A_441 = tpu.memref_slice %arg3[%dma_start3A_439, %dma_start3A_440] : memref<800000x32xf32, #tpu.memory_space<hbm>> -> memref<800000x32xf32, #tpu.memory_space<hbm>>
    tpu.enqueue_indirect_dma source(%dma_start3A_441 : memref<800000x32xf32, #tpu.memory_space<hbm>>) target(%arg9 : memref<128x32xf32, #tpu.memory_space<vmem>>) offsets(%dma_start3A_438 : memref<128xi32, #tpu.memory_space<vmem>>) semaphore(%arg10 : memref<!tpu.dma_semaphore, #tpu.memory_space<semaphore_mem>>)
    %dma_wait3A_442 = arith.constant 2688 : i32
    %dma_wait3A_443 = tpu.memref_slice %arg5[%dma_wait3A_442] : memref<4096xi32, #tpu.memory_space<vmem>> -> memref<128xi32, #tpu.memory_space<vmem>>
    %dma_wait3A_444 = arith.constant 0 : i32
    %dma_wait3A_445 = arith.constant 0 : i32
    %dma_wait3A_446 = tpu.memref_slice %arg3[%dma_wait3A_444, %dma_wait3A_445] : memref<800000x32xf32, #tpu.memory_space<hbm>> -> memref<800000x32xf32, #tpu.memory_space<hbm>>
    tpu.wait_indirect_dma semaphore(%arg10 : memref<!tpu.dma_semaphore, #tpu.memory_space<semaphore_mem>>) src(%dma_wait3A_446 : memref<800000x32xf32, #tpu.memory_space<hbm>>) dst(%arg7 : memref<128x32xf32, #tpu.memory_space<vmem>>)
    %add3A_447 = arith.constant 2688 : i32
    %add3A_448 = arith.addi %mul3A_2, %add3A_447 : i32
    %dma_start3A_449 = arith.constant 0 : i32
    %dma_start3A_450 = tpu.memref_slice %arg4[%add3A_448, %dma_start3A_449] : memref<131072x32xf32, #tpu.memory_space<hbm>> -> memref<128x32xf32, #tpu.memory_space<hbm>>
    %dma_start3A_451 = arith.constant 0 : i32
    %dma_start3A_452 = tpu.memref_slice %arg4[%add3A_448, %dma_start3A_451] : memref<131072x32xf32, #tpu.memory_space<hbm>> -> memref<128x32xf32, #tpu.memory_space<hbm>>
    tpu.enqueue_dma source(%arg7 : memref<128x32xf32, #tpu.memory_space<vmem>>) target(%dma_start3A_452 : memref<128x32xf32, #tpu.memory_space<hbm>>) target_semaphore(%arg11 : memref<!tpu.dma_semaphore, #tpu.memory_space<semaphore_mem>>)
    %dma_wait3A_453 = arith.constant 0 : i32
    %dma_wait3A_454 = tpu.memref_slice %arg4[%add3A_428, %dma_wait3A_453] : memref<131072x32xf32, #tpu.memory_space<hbm>> -> memref<128x32xf32, #tpu.memory_space<hbm>>
    %dma_wait3A_455 = arith.constant 0 : i32
    %dma_wait3A_456 = tpu.memref_slice %arg4[%add3A_428, %dma_wait3A_455] : memref<131072x32xf32, #tpu.memory_space<hbm>> -> memref<128x32xf32, #tpu.memory_space<hbm>>
    tpu.wait_dma2 semaphore(%arg11 : memref<!tpu.dma_semaphore, #tpu.memory_space<semaphore_mem>>) src(%arg6 : memref<128x32xf32, #tpu.memory_space<vmem>>) dst(%dma_wait3A_456 : memref<128x32xf32, #tpu.memory_space<hbm>>)
    %dma_start3A_457 = arith.constant 3072 : i32
    %dma_start3A_458 = tpu.memref_slice %arg5[%dma_start3A_457] : memref<4096xi32, #tpu.memory_space<vmem>> -> memref<128xi32, #tpu.memory_space<vmem>>
    %dma_start3A_459 = arith.constant 0 : i32
    %dma_start3A_460 = arith.constant 0 : i32
    %dma_start3A_461 = tpu.memref_slice %arg3[%dma_start3A_459, %dma_start3A_460] : memref<800000x32xf32, #tpu.memory_space<hbm>> -> memref<800000x32xf32, #tpu.memory_space<hbm>>
    tpu.enqueue_indirect_dma source(%dma_start3A_461 : memref<800000x32xf32, #tpu.memory_space<hbm>>) target(%arg6 : memref<128x32xf32, #tpu.memory_space<vmem>>) offsets(%dma_start3A_458 : memref<128xi32, #tpu.memory_space<vmem>>) semaphore(%arg10 : memref<!tpu.dma_semaphore, #tpu.memory_space<semaphore_mem>>)
    %dma_wait3A_462 = arith.constant 2816 : i32
    %dma_wait3A_463 = tpu.memref_slice %arg5[%dma_wait3A_462] : memref<4096xi32, #tpu.memory_space<vmem>> -> memref<128xi32, #tpu.memory_space<vmem>>
    %dma_wait3A_464 = arith.constant 0 : i32
    %dma_wait3A_465 = arith.constant 0 : i32
    %dma_wait3A_466 = tpu.memref_slice %arg3[%dma_wait3A_464, %dma_wait3A_465] : memref<800000x32xf32, #tpu.memory_space<hbm>> -> memref<800000x32xf32, #tpu.memory_space<hbm>>
    tpu.wait_indirect_dma semaphore(%arg10 : memref<!tpu.dma_semaphore, #tpu.memory_space<semaphore_mem>>) src(%dma_wait3A_466 : memref<800000x32xf32, #tpu.memory_space<hbm>>) dst(%arg8 : memref<128x32xf32, #tpu.memory_space<vmem>>)
    %add3A_467 = arith.constant 2816 : i32
    %add3A_468 = arith.addi %mul3A_2, %add3A_467 : i32
    %dma_start3A_469 = arith.constant 0 : i32
    %dma_start3A_470 = tpu.memref_slice %arg4[%add3A_468, %dma_start3A_469] : memref<131072x32xf32, #tpu.memory_space<hbm>> -> memref<128x32xf32, #tpu.memory_space<hbm>>
    %dma_start3A_471 = arith.constant 0 : i32
    %dma_start3A_472 = tpu.memref_slice %arg4[%add3A_468, %dma_start3A_471] : memref<131072x32xf32, #tpu.memory_space<hbm>> -> memref<128x32xf32, #tpu.memory_space<hbm>>
    tpu.enqueue_dma source(%arg8 : memref<128x32xf32, #tpu.memory_space<vmem>>) target(%dma_start3A_472 : memref<128x32xf32, #tpu.memory_space<hbm>>) target_semaphore(%arg11 : memref<!tpu.dma_semaphore, #tpu.memory_space<semaphore_mem>>)
    %dma_wait3A_473 = arith.constant 0 : i32
    %dma_wait3A_474 = tpu.memref_slice %arg4[%add3A_448, %dma_wait3A_473] : memref<131072x32xf32, #tpu.memory_space<hbm>> -> memref<128x32xf32, #tpu.memory_space<hbm>>
    %dma_wait3A_475 = arith.constant 0 : i32
    %dma_wait3A_476 = tpu.memref_slice %arg4[%add3A_448, %dma_wait3A_475] : memref<131072x32xf32, #tpu.memory_space<hbm>> -> memref<128x32xf32, #tpu.memory_space<hbm>>
    tpu.wait_dma2 semaphore(%arg11 : memref<!tpu.dma_semaphore, #tpu.memory_space<semaphore_mem>>) src(%arg7 : memref<128x32xf32, #tpu.memory_space<vmem>>) dst(%dma_wait3A_476 : memref<128x32xf32, #tpu.memory_space<hbm>>)
    %dma_start3A_477 = arith.constant 3200 : i32
    %dma_start3A_478 = tpu.memref_slice %arg5[%dma_start3A_477] : memref<4096xi32, #tpu.memory_space<vmem>> -> memref<128xi32, #tpu.memory_space<vmem>>
    %dma_start3A_479 = arith.constant 0 : i32
    %dma_start3A_480 = arith.constant 0 : i32
    %dma_start3A_481 = tpu.memref_slice %arg3[%dma_start3A_479, %dma_start3A_480] : memref<800000x32xf32, #tpu.memory_space<hbm>> -> memref<800000x32xf32, #tpu.memory_space<hbm>>
    tpu.enqueue_indirect_dma source(%dma_start3A_481 : memref<800000x32xf32, #tpu.memory_space<hbm>>) target(%arg7 : memref<128x32xf32, #tpu.memory_space<vmem>>) offsets(%dma_start3A_478 : memref<128xi32, #tpu.memory_space<vmem>>) semaphore(%arg10 : memref<!tpu.dma_semaphore, #tpu.memory_space<semaphore_mem>>)
    %dma_wait3A_482 = arith.constant 2944 : i32
    %dma_wait3A_483 = tpu.memref_slice %arg5[%dma_wait3A_482] : memref<4096xi32, #tpu.memory_space<vmem>> -> memref<128xi32, #tpu.memory_space<vmem>>
    %dma_wait3A_484 = arith.constant 0 : i32
    %dma_wait3A_485 = arith.constant 0 : i32
    %dma_wait3A_486 = tpu.memref_slice %arg3[%dma_wait3A_484, %dma_wait3A_485] : memref<800000x32xf32, #tpu.memory_space<hbm>> -> memref<800000x32xf32, #tpu.memory_space<hbm>>
    tpu.wait_indirect_dma semaphore(%arg10 : memref<!tpu.dma_semaphore, #tpu.memory_space<semaphore_mem>>) src(%dma_wait3A_486 : memref<800000x32xf32, #tpu.memory_space<hbm>>) dst(%arg9 : memref<128x32xf32, #tpu.memory_space<vmem>>)
    %add3A_487 = arith.constant 2944 : i32
    %add3A_488 = arith.addi %mul3A_2, %add3A_487 : i32
    %dma_start3A_489 = arith.constant 0 : i32
    %dma_start3A_490 = tpu.memref_slice %arg4[%add3A_488, %dma_start3A_489] : memref<131072x32xf32, #tpu.memory_space<hbm>> -> memref<128x32xf32, #tpu.memory_space<hbm>>
    %dma_start3A_491 = arith.constant 0 : i32
    %dma_start3A_492 = tpu.memref_slice %arg4[%add3A_488, %dma_start3A_491] : memref<131072x32xf32, #tpu.memory_space<hbm>> -> memref<128x32xf32, #tpu.memory_space<hbm>>
    tpu.enqueue_dma source(%arg9 : memref<128x32xf32, #tpu.memory_space<vmem>>) target(%dma_start3A_492 : memref<128x32xf32, #tpu.memory_space<hbm>>) target_semaphore(%arg11 : memref<!tpu.dma_semaphore, #tpu.memory_space<semaphore_mem>>)
    %dma_wait3A_493 = arith.constant 0 : i32
    %dma_wait3A_494 = tpu.memref_slice %arg4[%add3A_468, %dma_wait3A_493] : memref<131072x32xf32, #tpu.memory_space<hbm>> -> memref<128x32xf32, #tpu.memory_space<hbm>>
    %dma_wait3A_495 = arith.constant 0 : i32
    %dma_wait3A_496 = tpu.memref_slice %arg4[%add3A_468, %dma_wait3A_495] : memref<131072x32xf32, #tpu.memory_space<hbm>> -> memref<128x32xf32, #tpu.memory_space<hbm>>
    tpu.wait_dma2 semaphore(%arg11 : memref<!tpu.dma_semaphore, #tpu.memory_space<semaphore_mem>>) src(%arg8 : memref<128x32xf32, #tpu.memory_space<vmem>>) dst(%dma_wait3A_496 : memref<128x32xf32, #tpu.memory_space<hbm>>)
    %dma_start3A_497 = arith.constant 3328 : i32
    %dma_start3A_498 = tpu.memref_slice %arg5[%dma_start3A_497] : memref<4096xi32, #tpu.memory_space<vmem>> -> memref<128xi32, #tpu.memory_space<vmem>>
    %dma_start3A_499 = arith.constant 0 : i32
    %dma_start3A_500 = arith.constant 0 : i32
    %dma_start3A_501 = tpu.memref_slice %arg3[%dma_start3A_499, %dma_start3A_500] : memref<800000x32xf32, #tpu.memory_space<hbm>> -> memref<800000x32xf32, #tpu.memory_space<hbm>>
    tpu.enqueue_indirect_dma source(%dma_start3A_501 : memref<800000x32xf32, #tpu.memory_space<hbm>>) target(%arg8 : memref<128x32xf32, #tpu.memory_space<vmem>>) offsets(%dma_start3A_498 : memref<128xi32, #tpu.memory_space<vmem>>) semaphore(%arg10 : memref<!tpu.dma_semaphore, #tpu.memory_space<semaphore_mem>>)
    %dma_wait3A_502 = arith.constant 3072 : i32
    %dma_wait3A_503 = tpu.memref_slice %arg5[%dma_wait3A_502] : memref<4096xi32, #tpu.memory_space<vmem>> -> memref<128xi32, #tpu.memory_space<vmem>>
    %dma_wait3A_504 = arith.constant 0 : i32
    %dma_wait3A_505 = arith.constant 0 : i32
    %dma_wait3A_506 = tpu.memref_slice %arg3[%dma_wait3A_504, %dma_wait3A_505] : memref<800000x32xf32, #tpu.memory_space<hbm>> -> memref<800000x32xf32, #tpu.memory_space<hbm>>
    tpu.wait_indirect_dma semaphore(%arg10 : memref<!tpu.dma_semaphore, #tpu.memory_space<semaphore_mem>>) src(%dma_wait3A_506 : memref<800000x32xf32, #tpu.memory_space<hbm>>) dst(%arg6 : memref<128x32xf32, #tpu.memory_space<vmem>>)
    %add3A_507 = arith.constant 3072 : i32
    %add3A_508 = arith.addi %mul3A_2, %add3A_507 : i32
    %dma_start3A_509 = arith.constant 0 : i32
    %dma_start3A_510 = tpu.memref_slice %arg4[%add3A_508, %dma_start3A_509] : memref<131072x32xf32, #tpu.memory_space<hbm>> -> memref<128x32xf32, #tpu.memory_space<hbm>>
    %dma_start3A_511 = arith.constant 0 : i32
    %dma_start3A_512 = tpu.memref_slice %arg4[%add3A_508, %dma_start3A_511] : memref<131072x32xf32, #tpu.memory_space<hbm>> -> memref<128x32xf32, #tpu.memory_space<hbm>>
    tpu.enqueue_dma source(%arg6 : memref<128x32xf32, #tpu.memory_space<vmem>>) target(%dma_start3A_512 : memref<128x32xf32, #tpu.memory_space<hbm>>) target_semaphore(%arg11 : memref<!tpu.dma_semaphore, #tpu.memory_space<semaphore_mem>>)
    %dma_wait3A_513 = arith.constant 0 : i32
    %dma_wait3A_514 = tpu.memref_slice %arg4[%add3A_488, %dma_wait3A_513] : memref<131072x32xf32, #tpu.memory_space<hbm>> -> memref<128x32xf32, #tpu.memory_space<hbm>>
    %dma_wait3A_515 = arith.constant 0 : i32
    %dma_wait3A_516 = tpu.memref_slice %arg4[%add3A_488, %dma_wait3A_515] : memref<131072x32xf32, #tpu.memory_space<hbm>> -> memref<128x32xf32, #tpu.memory_space<hbm>>
    tpu.wait_dma2 semaphore(%arg11 : memref<!tpu.dma_semaphore, #tpu.memory_space<semaphore_mem>>) src(%arg9 : memref<128x32xf32, #tpu.memory_space<vmem>>) dst(%dma_wait3A_516 : memref<128x32xf32, #tpu.memory_space<hbm>>)
    %dma_start3A_517 = arith.constant 3456 : i32
    %dma_start3A_518 = tpu.memref_slice %arg5[%dma_start3A_517] : memref<4096xi32, #tpu.memory_space<vmem>> -> memref<128xi32, #tpu.memory_space<vmem>>
    %dma_start3A_519 = arith.constant 0 : i32
    %dma_start3A_520 = arith.constant 0 : i32
    %dma_start3A_521 = tpu.memref_slice %arg3[%dma_start3A_519, %dma_start3A_520] : memref<800000x32xf32, #tpu.memory_space<hbm>> -> memref<800000x32xf32, #tpu.memory_space<hbm>>
    tpu.enqueue_indirect_dma source(%dma_start3A_521 : memref<800000x32xf32, #tpu.memory_space<hbm>>) target(%arg9 : memref<128x32xf32, #tpu.memory_space<vmem>>) offsets(%dma_start3A_518 : memref<128xi32, #tpu.memory_space<vmem>>) semaphore(%arg10 : memref<!tpu.dma_semaphore, #tpu.memory_space<semaphore_mem>>)
    %dma_wait3A_522 = arith.constant 3200 : i32
    %dma_wait3A_523 = tpu.memref_slice %arg5[%dma_wait3A_522] : memref<4096xi32, #tpu.memory_space<vmem>> -> memref<128xi32, #tpu.memory_space<vmem>>
    %dma_wait3A_524 = arith.constant 0 : i32
    %dma_wait3A_525 = arith.constant 0 : i32
    %dma_wait3A_526 = tpu.memref_slice %arg3[%dma_wait3A_524, %dma_wait3A_525] : memref<800000x32xf32, #tpu.memory_space<hbm>> -> memref<800000x32xf32, #tpu.memory_space<hbm>>
    tpu.wait_indirect_dma semaphore(%arg10 : memref<!tpu.dma_semaphore, #tpu.memory_space<semaphore_mem>>) src(%dma_wait3A_526 : memref<800000x32xf32, #tpu.memory_space<hbm>>) dst(%arg7 : memref<128x32xf32, #tpu.memory_space<vmem>>)
    %add3A_527 = arith.constant 3200 : i32
    %add3A_528 = arith.addi %mul3A_2, %add3A_527 : i32
    %dma_start3A_529 = arith.constant 0 : i32
    %dma_start3A_530 = tpu.memref_slice %arg4[%add3A_528, %dma_start3A_529] : memref<131072x32xf32, #tpu.memory_space<hbm>> -> memref<128x32xf32, #tpu.memory_space<hbm>>
    %dma_start3A_531 = arith.constant 0 : i32
    %dma_start3A_532 = tpu.memref_slice %arg4[%add3A_528, %dma_start3A_531] : memref<131072x32xf32, #tpu.memory_space<hbm>> -> memref<128x32xf32, #tpu.memory_space<hbm>>
    tpu.enqueue_dma source(%arg7 : memref<128x32xf32, #tpu.memory_space<vmem>>) target(%dma_start3A_532 : memref<128x32xf32, #tpu.memory_space<hbm>>) target_semaphore(%arg11 : memref<!tpu.dma_semaphore, #tpu.memory_space<semaphore_mem>>)
    %dma_wait3A_533 = arith.constant 0 : i32
    %dma_wait3A_534 = tpu.memref_slice %arg4[%add3A_508, %dma_wait3A_533] : memref<131072x32xf32, #tpu.memory_space<hbm>> -> memref<128x32xf32, #tpu.memory_space<hbm>>
    %dma_wait3A_535 = arith.constant 0 : i32
    %dma_wait3A_536 = tpu.memref_slice %arg4[%add3A_508, %dma_wait3A_535] : memref<131072x32xf32, #tpu.memory_space<hbm>> -> memref<128x32xf32, #tpu.memory_space<hbm>>
    tpu.wait_dma2 semaphore(%arg11 : memref<!tpu.dma_semaphore, #tpu.memory_space<semaphore_mem>>) src(%arg6 : memref<128x32xf32, #tpu.memory_space<vmem>>) dst(%dma_wait3A_536 : memref<128x32xf32, #tpu.memory_space<hbm>>)
    %dma_start3A_537 = arith.constant 3584 : i32
    %dma_start3A_538 = tpu.memref_slice %arg5[%dma_start3A_537] : memref<4096xi32, #tpu.memory_space<vmem>> -> memref<128xi32, #tpu.memory_space<vmem>>
    %dma_start3A_539 = arith.constant 0 : i32
    %dma_start3A_540 = arith.constant 0 : i32
    %dma_start3A_541 = tpu.memref_slice %arg3[%dma_start3A_539, %dma_start3A_540] : memref<800000x32xf32, #tpu.memory_space<hbm>> -> memref<800000x32xf32, #tpu.memory_space<hbm>>
    tpu.enqueue_indirect_dma source(%dma_start3A_541 : memref<800000x32xf32, #tpu.memory_space<hbm>>) target(%arg6 : memref<128x32xf32, #tpu.memory_space<vmem>>) offsets(%dma_start3A_538 : memref<128xi32, #tpu.memory_space<vmem>>) semaphore(%arg10 : memref<!tpu.dma_semaphore, #tpu.memory_space<semaphore_mem>>)
    %dma_wait3A_542 = arith.constant 3328 : i32
    %dma_wait3A_543 = tpu.memref_slice %arg5[%dma_wait3A_542] : memref<4096xi32, #tpu.memory_space<vmem>> -> memref<128xi32, #tpu.memory_space<vmem>>
    %dma_wait3A_544 = arith.constant 0 : i32
    %dma_wait3A_545 = arith.constant 0 : i32
    %dma_wait3A_546 = tpu.memref_slice %arg3[%dma_wait3A_544, %dma_wait3A_545] : memref<800000x32xf32, #tpu.memory_space<hbm>> -> memref<800000x32xf32, #tpu.memory_space<hbm>>
    tpu.wait_indirect_dma semaphore(%arg10 : memref<!tpu.dma_semaphore, #tpu.memory_space<semaphore_mem>>) src(%dma_wait3A_546 : memref<800000x32xf32, #tpu.memory_space<hbm>>) dst(%arg8 : memref<128x32xf32, #tpu.memory_space<vmem>>)
    %add3A_547 = arith.constant 3328 : i32
    %add3A_548 = arith.addi %mul3A_2, %add3A_547 : i32
    %dma_start3A_549 = arith.constant 0 : i32
    %dma_start3A_550 = tpu.memref_slice %arg4[%add3A_548, %dma_start3A_549] : memref<131072x32xf32, #tpu.memory_space<hbm>> -> memref<128x32xf32, #tpu.memory_space<hbm>>
    %dma_start3A_551 = arith.constant 0 : i32
    %dma_start3A_552 = tpu.memref_slice %arg4[%add3A_548, %dma_start3A_551] : memref<131072x32xf32, #tpu.memory_space<hbm>> -> memref<128x32xf32, #tpu.memory_space<hbm>>
    tpu.enqueue_dma source(%arg8 : memref<128x32xf32, #tpu.memory_space<vmem>>) target(%dma_start3A_552 : memref<128x32xf32, #tpu.memory_space<hbm>>) target_semaphore(%arg11 : memref<!tpu.dma_semaphore, #tpu.memory_space<semaphore_mem>>)
    %dma_wait3A_553 = arith.constant 0 : i32
    %dma_wait3A_554 = tpu.memref_slice %arg4[%add3A_528, %dma_wait3A_553] : memref<131072x32xf32, #tpu.memory_space<hbm>> -> memref<128x32xf32, #tpu.memory_space<hbm>>
    %dma_wait3A_555 = arith.constant 0 : i32
    %dma_wait3A_556 = tpu.memref_slice %arg4[%add3A_528, %dma_wait3A_555] : memref<131072x32xf32, #tpu.memory_space<hbm>> -> memref<128x32xf32, #tpu.memory_space<hbm>>
    tpu.wait_dma2 semaphore(%arg11 : memref<!tpu.dma_semaphore, #tpu.memory_space<semaphore_mem>>) src(%arg7 : memref<128x32xf32, #tpu.memory_space<vmem>>) dst(%dma_wait3A_556 : memref<128x32xf32, #tpu.memory_space<hbm>>)
    %dma_start3A_557 = arith.constant 3712 : i32
    %dma_start3A_558 = tpu.memref_slice %arg5[%dma_start3A_557] : memref<4096xi32, #tpu.memory_space<vmem>> -> memref<128xi32, #tpu.memory_space<vmem>>
    %dma_start3A_559 = arith.constant 0 : i32
    %dma_start3A_560 = arith.constant 0 : i32
    %dma_start3A_561 = tpu.memref_slice %arg3[%dma_start3A_559, %dma_start3A_560] : memref<800000x32xf32, #tpu.memory_space<hbm>> -> memref<800000x32xf32, #tpu.memory_space<hbm>>
    tpu.enqueue_indirect_dma source(%dma_start3A_561 : memref<800000x32xf32, #tpu.memory_space<hbm>>) target(%arg7 : memref<128x32xf32, #tpu.memory_space<vmem>>) offsets(%dma_start3A_558 : memref<128xi32, #tpu.memory_space<vmem>>) semaphore(%arg10 : memref<!tpu.dma_semaphore, #tpu.memory_space<semaphore_mem>>)
    %dma_wait3A_562 = arith.constant 3456 : i32
    %dma_wait3A_563 = tpu.memref_slice %arg5[%dma_wait3A_562] : memref<4096xi32, #tpu.memory_space<vmem>> -> memref<128xi32, #tpu.memory_space<vmem>>
    %dma_wait3A_564 = arith.constant 0 : i32
    %dma_wait3A_565 = arith.constant 0 : i32
    %dma_wait3A_566 = tpu.memref_slice %arg3[%dma_wait3A_564, %dma_wait3A_565] : memref<800000x32xf32, #tpu.memory_space<hbm>> -> memref<800000x32xf32, #tpu.memory_space<hbm>>
    tpu.wait_indirect_dma semaphore(%arg10 : memref<!tpu.dma_semaphore, #tpu.memory_space<semaphore_mem>>) src(%dma_wait3A_566 : memref<800000x32xf32, #tpu.memory_space<hbm>>) dst(%arg9 : memref<128x32xf32, #tpu.memory_space<vmem>>)
    %add3A_567 = arith.constant 3456 : i32
    %add3A_568 = arith.addi %mul3A_2, %add3A_567 : i32
    %dma_start3A_569 = arith.constant 0 : i32
    %dma_start3A_570 = tpu.memref_slice %arg4[%add3A_568, %dma_start3A_569] : memref<131072x32xf32, #tpu.memory_space<hbm>> -> memref<128x32xf32, #tpu.memory_space<hbm>>
    %dma_start3A_571 = arith.constant 0 : i32
    %dma_start3A_572 = tpu.memref_slice %arg4[%add3A_568, %dma_start3A_571] : memref<131072x32xf32, #tpu.memory_space<hbm>> -> memref<128x32xf32, #tpu.memory_space<hbm>>
    tpu.enqueue_dma source(%arg9 : memref<128x32xf32, #tpu.memory_space<vmem>>) target(%dma_start3A_572 : memref<128x32xf32, #tpu.memory_space<hbm>>) target_semaphore(%arg11 : memref<!tpu.dma_semaphore, #tpu.memory_space<semaphore_mem>>)
    %dma_wait3A_573 = arith.constant 0 : i32
    %dma_wait3A_574 = tpu.memref_slice %arg4[%add3A_548, %dma_wait3A_573] : memref<131072x32xf32, #tpu.memory_space<hbm>> -> memref<128x32xf32, #tpu.memory_space<hbm>>
    %dma_wait3A_575 = arith.constant 0 : i32
    %dma_wait3A_576 = tpu.memref_slice %arg4[%add3A_548, %dma_wait3A_575] : memref<131072x32xf32, #tpu.memory_space<hbm>> -> memref<128x32xf32, #tpu.memory_space<hbm>>
    tpu.wait_dma2 semaphore(%arg11 : memref<!tpu.dma_semaphore, #tpu.memory_space<semaphore_mem>>) src(%arg8 : memref<128x32xf32, #tpu.memory_space<vmem>>) dst(%dma_wait3A_576 : memref<128x32xf32, #tpu.memory_space<hbm>>)
    %dma_start3A_577 = arith.constant 3840 : i32
    %dma_start3A_578 = tpu.memref_slice %arg5[%dma_start3A_577] : memref<4096xi32, #tpu.memory_space<vmem>> -> memref<128xi32, #tpu.memory_space<vmem>>
    %dma_start3A_579 = arith.constant 0 : i32
    %dma_start3A_580 = arith.constant 0 : i32
    %dma_start3A_581 = tpu.memref_slice %arg3[%dma_start3A_579, %dma_start3A_580] : memref<800000x32xf32, #tpu.memory_space<hbm>> -> memref<800000x32xf32, #tpu.memory_space<hbm>>
    tpu.enqueue_indirect_dma source(%dma_start3A_581 : memref<800000x32xf32, #tpu.memory_space<hbm>>) target(%arg8 : memref<128x32xf32, #tpu.memory_space<vmem>>) offsets(%dma_start3A_578 : memref<128xi32, #tpu.memory_space<vmem>>) semaphore(%arg10 : memref<!tpu.dma_semaphore, #tpu.memory_space<semaphore_mem>>)
    %dma_wait3A_582 = arith.constant 3584 : i32
    %dma_wait3A_583 = tpu.memref_slice %arg5[%dma_wait3A_582] : memref<4096xi32, #tpu.memory_space<vmem>> -> memref<128xi32, #tpu.memory_space<vmem>>
    %dma_wait3A_584 = arith.constant 0 : i32
    %dma_wait3A_585 = arith.constant 0 : i32
    %dma_wait3A_586 = tpu.memref_slice %arg3[%dma_wait3A_584, %dma_wait3A_585] : memref<800000x32xf32, #tpu.memory_space<hbm>> -> memref<800000x32xf32, #tpu.memory_space<hbm>>
    tpu.wait_indirect_dma semaphore(%arg10 : memref<!tpu.dma_semaphore, #tpu.memory_space<semaphore_mem>>) src(%dma_wait3A_586 : memref<800000x32xf32, #tpu.memory_space<hbm>>) dst(%arg6 : memref<128x32xf32, #tpu.memory_space<vmem>>)
    %add3A_587 = arith.constant 3584 : i32
    %add3A_588 = arith.addi %mul3A_2, %add3A_587 : i32
    %dma_start3A_589 = arith.constant 0 : i32
    %dma_start3A_590 = tpu.memref_slice %arg4[%add3A_588, %dma_start3A_589] : memref<131072x32xf32, #tpu.memory_space<hbm>> -> memref<128x32xf32, #tpu.memory_space<hbm>>
    %dma_start3A_591 = arith.constant 0 : i32
    %dma_start3A_592 = tpu.memref_slice %arg4[%add3A_588, %dma_start3A_591] : memref<131072x32xf32, #tpu.memory_space<hbm>> -> memref<128x32xf32, #tpu.memory_space<hbm>>
    tpu.enqueue_dma source(%arg6 : memref<128x32xf32, #tpu.memory_space<vmem>>) target(%dma_start3A_592 : memref<128x32xf32, #tpu.memory_space<hbm>>) target_semaphore(%arg11 : memref<!tpu.dma_semaphore, #tpu.memory_space<semaphore_mem>>)
    %dma_wait3A_593 = arith.constant 0 : i32
    %dma_wait3A_594 = tpu.memref_slice %arg4[%add3A_568, %dma_wait3A_593] : memref<131072x32xf32, #tpu.memory_space<hbm>> -> memref<128x32xf32, #tpu.memory_space<hbm>>
    %dma_wait3A_595 = arith.constant 0 : i32
    %dma_wait3A_596 = tpu.memref_slice %arg4[%add3A_568, %dma_wait3A_595] : memref<131072x32xf32, #tpu.memory_space<hbm>> -> memref<128x32xf32, #tpu.memory_space<hbm>>
    tpu.wait_dma2 semaphore(%arg11 : memref<!tpu.dma_semaphore, #tpu.memory_space<semaphore_mem>>) src(%arg9 : memref<128x32xf32, #tpu.memory_space<vmem>>) dst(%dma_wait3A_596 : memref<128x32xf32, #tpu.memory_space<hbm>>)
    %dma_start3A_597 = arith.constant 3968 : i32
    %dma_start3A_598 = tpu.memref_slice %arg5[%dma_start3A_597] : memref<4096xi32, #tpu.memory_space<vmem>> -> memref<128xi32, #tpu.memory_space<vmem>>
    %dma_start3A_599 = arith.constant 0 : i32
    %dma_start3A_600 = arith.constant 0 : i32
    %dma_start3A_601 = tpu.memref_slice %arg3[%dma_start3A_599, %dma_start3A_600] : memref<800000x32xf32, #tpu.memory_space<hbm>> -> memref<800000x32xf32, #tpu.memory_space<hbm>>
    tpu.enqueue_indirect_dma source(%dma_start3A_601 : memref<800000x32xf32, #tpu.memory_space<hbm>>) target(%arg9 : memref<128x32xf32, #tpu.memory_space<vmem>>) offsets(%dma_start3A_598 : memref<128xi32, #tpu.memory_space<vmem>>) semaphore(%arg10 : memref<!tpu.dma_semaphore, #tpu.memory_space<semaphore_mem>>)
    %dma_wait3A_602 = arith.constant 3712 : i32
    %dma_wait3A_603 = tpu.memref_slice %arg5[%dma_wait3A_602] : memref<4096xi32, #tpu.memory_space<vmem>> -> memref<128xi32, #tpu.memory_space<vmem>>
    %dma_wait3A_604 = arith.constant 0 : i32
    %dma_wait3A_605 = arith.constant 0 : i32
    %dma_wait3A_606 = tpu.memref_slice %arg3[%dma_wait3A_604, %dma_wait3A_605] : memref<800000x32xf32, #tpu.memory_space<hbm>> -> memref<800000x32xf32, #tpu.memory_space<hbm>>
    tpu.wait_indirect_dma semaphore(%arg10 : memref<!tpu.dma_semaphore, #tpu.memory_space<semaphore_mem>>) src(%dma_wait3A_606 : memref<800000x32xf32, #tpu.memory_space<hbm>>) dst(%arg7 : memref<128x32xf32, #tpu.memory_space<vmem>>)
    %add3A_607 = arith.constant 3712 : i32
    %add3A_608 = arith.addi %mul3A_2, %add3A_607 : i32
    %dma_start3A_609 = arith.constant 0 : i32
    %dma_start3A_610 = tpu.memref_slice %arg4[%add3A_608, %dma_start3A_609] : memref<131072x32xf32, #tpu.memory_space<hbm>> -> memref<128x32xf32, #tpu.memory_space<hbm>>
    %dma_start3A_611 = arith.constant 0 : i32
    %dma_start3A_612 = tpu.memref_slice %arg4[%add3A_608, %dma_start3A_611] : memref<131072x32xf32, #tpu.memory_space<hbm>> -> memref<128x32xf32, #tpu.memory_space<hbm>>
    tpu.enqueue_dma source(%arg7 : memref<128x32xf32, #tpu.memory_space<vmem>>) target(%dma_start3A_612 : memref<128x32xf32, #tpu.memory_space<hbm>>) target_semaphore(%arg11 : memref<!tpu.dma_semaphore, #tpu.memory_space<semaphore_mem>>)
    %dma_wait3A_613 = arith.constant 3840 : i32
    %dma_wait3A_614 = tpu.memref_slice %arg5[%dma_wait3A_613] : memref<4096xi32, #tpu.memory_space<vmem>> -> memref<128xi32, #tpu.memory_space<vmem>>
    %dma_wait3A_615 = arith.constant 0 : i32
    %dma_wait3A_616 = arith.constant 0 : i32
    %dma_wait3A_617 = tpu.memref_slice %arg3[%dma_wait3A_615, %dma_wait3A_616] : memref<800000x32xf32, #tpu.memory_space<hbm>> -> memref<800000x32xf32, #tpu.memory_space<hbm>>
    tpu.wait_indirect_dma semaphore(%arg10 : memref<!tpu.dma_semaphore, #tpu.memory_space<semaphore_mem>>) src(%dma_wait3A_617 : memref<800000x32xf32, #tpu.memory_space<hbm>>) dst(%arg8 : memref<128x32xf32, #tpu.memory_space<vmem>>)
    %add3A_618 = arith.constant 3840 : i32
    %add3A_619 = arith.addi %mul3A_2, %add3A_618 : i32
    %dma_start3A_620 = arith.constant 0 : i32
    %dma_start3A_621 = tpu.memref_slice %arg4[%add3A_619, %dma_start3A_620] : memref<131072x32xf32, #tpu.memory_space<hbm>> -> memref<128x32xf32, #tpu.memory_space<hbm>>
    %dma_start3A_622 = arith.constant 0 : i32
    %dma_start3A_623 = tpu.memref_slice %arg4[%add3A_619, %dma_start3A_622] : memref<131072x32xf32, #tpu.memory_space<hbm>> -> memref<128x32xf32, #tpu.memory_space<hbm>>
    tpu.enqueue_dma source(%arg8 : memref<128x32xf32, #tpu.memory_space<vmem>>) target(%dma_start3A_623 : memref<128x32xf32, #tpu.memory_space<hbm>>) target_semaphore(%arg11 : memref<!tpu.dma_semaphore, #tpu.memory_space<semaphore_mem>>)
    %dma_wait3A_624 = arith.constant 3968 : i32
    %dma_wait3A_625 = tpu.memref_slice %arg5[%dma_wait3A_624] : memref<4096xi32, #tpu.memory_space<vmem>> -> memref<128xi32, #tpu.memory_space<vmem>>
    %dma_wait3A_626 = arith.constant 0 : i32
    %dma_wait3A_627 = arith.constant 0 : i32
    %dma_wait3A_628 = tpu.memref_slice %arg3[%dma_wait3A_626, %dma_wait3A_627] : memref<800000x32xf32, #tpu.memory_space<hbm>> -> memref<800000x32xf32, #tpu.memory_space<hbm>>
    tpu.wait_indirect_dma semaphore(%arg10 : memref<!tpu.dma_semaphore, #tpu.memory_space<semaphore_mem>>) src(%dma_wait3A_628 : memref<800000x32xf32, #tpu.memory_space<hbm>>) dst(%arg9 : memref<128x32xf32, #tpu.memory_space<vmem>>)
    %add3A_629 = arith.constant 3968 : i32
    %add3A_630 = arith.addi %mul3A_2, %add3A_629 : i32
    %dma_start3A_631 = arith.constant 0 : i32
    %dma_start3A_632 = tpu.memref_slice %arg4[%add3A_630, %dma_start3A_631] : memref<131072x32xf32, #tpu.memory_space<hbm>> -> memref<128x32xf32, #tpu.memory_space<hbm>>
    %dma_start3A_633 = arith.constant 0 : i32
    %dma_start3A_634 = tpu.memref_slice %arg4[%add3A_630, %dma_start3A_633] : memref<131072x32xf32, #tpu.memory_space<hbm>> -> memref<128x32xf32, #tpu.memory_space<hbm>>
    tpu.enqueue_dma source(%arg9 : memref<128x32xf32, #tpu.memory_space<vmem>>) target(%dma_start3A_634 : memref<128x32xf32, #tpu.memory_space<hbm>>) target_semaphore(%arg11 : memref<!tpu.dma_semaphore, #tpu.memory_space<semaphore_mem>>)
    %dma_wait3A_635 = arith.constant 0 : i32
    %dma_wait3A_636 = tpu.memref_slice %arg4[%add3A_588, %dma_wait3A_635] : memref<131072x32xf32, #tpu.memory_space<hbm>> -> memref<128x32xf32, #tpu.memory_space<hbm>>
    %dma_wait3A_637 = arith.constant 0 : i32
    %dma_wait3A_638 = tpu.memref_slice %arg4[%add3A_588, %dma_wait3A_637] : memref<131072x32xf32, #tpu.memory_space<hbm>> -> memref<128x32xf32, #tpu.memory_space<hbm>>
    tpu.wait_dma2 semaphore(%arg11 : memref<!tpu.dma_semaphore, #tpu.memory_space<semaphore_mem>>) src(%arg6 : memref<128x32xf32, #tpu.memory_space<vmem>>) dst(%dma_wait3A_638 : memref<128x32xf32, #tpu.memory_space<hbm>>)
    %dma_wait3A_639 = arith.constant 0 : i32
    %dma_wait3A_640 = tpu.memref_slice %arg4[%add3A_608, %dma_wait3A_639] : memref<131072x32xf32, #tpu.memory_space<hbm>> -> memref<128x32xf32, #tpu.memory_space<hbm>>
    %dma_wait3A_641 = arith.constant 0 : i32
    %dma_wait3A_642 = tpu.memref_slice %arg4[%add3A_608, %dma_wait3A_641] : memref<131072x32xf32, #tpu.memory_space<hbm>> -> memref<128x32xf32, #tpu.memory_space<hbm>>
    tpu.wait_dma2 semaphore(%arg11 : memref<!tpu.dma_semaphore, #tpu.memory_space<semaphore_mem>>) src(%arg7 : memref<128x32xf32, #tpu.memory_space<vmem>>) dst(%dma_wait3A_642 : memref<128x32xf32, #tpu.memory_space<hbm>>)
    %dma_wait3A_643 = arith.constant 0 : i32
    %dma_wait3A_644 = tpu.memref_slice %arg4[%add3A_619, %dma_wait3A_643] : memref<131072x32xf32, #tpu.memory_space<hbm>> -> memref<128x32xf32, #tpu.memory_space<hbm>>
    %dma_wait3A_645 = arith.constant 0 : i32
    %dma_wait3A_646 = tpu.memref_slice %arg4[%add3A_619, %dma_wait3A_645] : memref<131072x32xf32, #tpu.memory_space<hbm>> -> memref<128x32xf32, #tpu.memory_space<hbm>>
    tpu.wait_dma2 semaphore(%arg11 : memref<!tpu.dma_semaphore, #tpu.memory_space<semaphore_mem>>) src(%arg8 : memref<128x32xf32, #tpu.memory_space<vmem>>) dst(%dma_wait3A_646 : memref<128x32xf32, #tpu.memory_space<hbm>>)
    %dma_wait3A_647 = arith.constant 0 : i32
    %dma_wait3A_648 = tpu.memref_slice %arg4[%add3A_630, %dma_wait3A_647] : memref<131072x32xf32, #tpu.memory_space<hbm>> -> memref<128x32xf32, #tpu.memory_space<hbm>>
    %dma_wait3A_649 = arith.constant 0 : i32
    %dma_wait3A_650 = tpu.memref_slice %arg4[%add3A_630, %dma_wait3A_649] : memref<131072x32xf32, #tpu.memory_space<hbm>> -> memref<128x32xf32, #tpu.memory_space<hbm>>
    tpu.wait_dma2 semaphore(%arg11 : memref<!tpu.dma_semaphore, #tpu.memory_space<semaphore_mem>>) src(%arg9 : memref<128x32xf32, #tpu.memory_space<vmem>>) dst(%dma_wait3A_650 : memref<128x32xf32, #tpu.memory_space<hbm>>)
    return
  }
}

module attributes {stable_mosaic.version = 14 : i64} {
  func.func @_mlp_body(%arg0: i32, %arg1: memref<1024x64xf32, #tpu.memory_space<vmem>>, %arg2: memref<1024x256xf32, #tpu.memory_space<vmem>>, %arg3: memref<1024x512xf32, #tpu.memory_space<vmem>>, %arg4: memref<1024x1xf32, #tpu.memory_space<vmem>>, %arg5: memref<1024x6xf32, #tpu.memory_space<vmem>>, %arg6: memref<1024x2xf32, #tpu.memory_space<vmem>>, %arg7: memref<6x12xf32, #tpu.memory_space<vmem>>, %arg8: memref<1x12xf32, #tpu.memory_space<vmem>>, %arg9: memref<12x6xf32, #tpu.memory_space<vmem>>, %arg10: memref<1x6xf32, #tpu.memory_space<vmem>>, %arg11: memref<2x8xf32, #tpu.memory_space<vmem>>, %arg12: memref<1x8xf32, #tpu.memory_space<vmem>>, %arg13: memref<8x4xf32, #tpu.memory_space<vmem>>, %arg14: memref<1x4xf32, #tpu.memory_space<vmem>>, %arg15: memref<832x2048xbf16, #tpu.memory_space<vmem>>, %arg16: memref<6x2048xbf16, #tpu.memory_space<vmem>>, %arg17: memref<4x2048xbf16, #tpu.memory_space<vmem>>, %arg18: memref<1x2048xf32, #tpu.memory_space<vmem>>, %arg19: memref<2048x1024xbf16, #tpu.memory_space<vmem>>, %arg20: memref<1x1024xf32, #tpu.memory_space<vmem>>, %arg21: memref<1024x512xbf16, #tpu.memory_space<vmem>>, %arg22: memref<1x512xf32, #tpu.memory_space<vmem>>, %arg23: memref<1024x512xf32, #tpu.memory_space<vmem>>) attributes {dimension_semantics = [#tpu.dimension_semantics<arbitrary>], iteration_bounds = array<i64: 16>, scalar_prefetch = 0 : i64, scratch_operands = 0 : i64, tpu.core_type = #tpu.core_type<tc>, window_params = [{transform_indices = @transform_0, window_bounds = array<i64: 1024, 64>}, {transform_indices = @transform_1, window_bounds = array<i64: 1024, 256>}, {transform_indices = @transform_2, window_bounds = array<i64: 1024, 512>}, {transform_indices = @transform_3, window_bounds = array<i64: 1024, 1>}, {transform_indices = @transform_4, window_bounds = array<i64: 1024, 6>}, {transform_indices = @transform_5, window_bounds = array<i64: 1024, 2>}, {pipeline_mode = #tpu.pipeline_mode<synchronous>, transform_indices = @transform_6, window_bounds = array<i64: 6, 12>}, {pipeline_mode = #tpu.pipeline_mode<synchronous>, transform_indices = @transform_7, window_bounds = array<i64: 1, 12>}, {pipeline_mode = #tpu.pipeline_mode<synchronous>, transform_indices = @transform_8, window_bounds = array<i64: 12, 6>}, {pipeline_mode = #tpu.pipeline_mode<synchronous>, transform_indices = @transform_9, window_bounds = array<i64: 1, 6>}, {pipeline_mode = #tpu.pipeline_mode<synchronous>, transform_indices = @transform_10, window_bounds = array<i64: 2, 8>}, {pipeline_mode = #tpu.pipeline_mode<synchronous>, transform_indices = @transform_11, window_bounds = array<i64: 1, 8>}, {pipeline_mode = #tpu.pipeline_mode<synchronous>, transform_indices = @transform_12, window_bounds = array<i64: 8, 4>}, {pipeline_mode = #tpu.pipeline_mode<synchronous>, transform_indices = @transform_13, window_bounds = array<i64: 1, 4>}, {pipeline_mode = #tpu.pipeline_mode<synchronous>, transform_indices = @transform_14, window_bounds = array<i64: 832, 2048>}, {pipeline_mode = #tpu.pipeline_mode<synchronous>, transform_indices = @transform_15, window_bounds = array<i64: 6, 2048>}, {pipeline_mode = #tpu.pipeline_mode<synchronous>, transform_indices = @transform_16, window_bounds = array<i64: 4, 2048>}, {pipeline_mode = #tpu.pipeline_mode<synchronous>, transform_indices = @transform_17, window_bounds = array<i64: 1, 2048>}, {pipeline_mode = #tpu.pipeline_mode<synchronous>, transform_indices = @transform_18, window_bounds = array<i64: 2048, 1024>}, {pipeline_mode = #tpu.pipeline_mode<synchronous>, transform_indices = @transform_19, window_bounds = array<i64: 1, 1024>}, {pipeline_mode = #tpu.pipeline_mode<synchronous>, transform_indices = @transform_20, window_bounds = array<i64: 1024, 512>}, {pipeline_mode = #tpu.pipeline_mode<synchronous>, transform_indices = @transform_21, window_bounds = array<i64: 1, 512>}, {transform_indices = @transform_22, window_bounds = array<i64: 1024, 512>}]} {
    %get3A = arith.constant 0 : index
    %get3A_0 = arith.constant 0 : index
    %get3A_1 = vector.load %arg5[%get3A, %get3A_0] : memref<1024x6xf32, #tpu.memory_space<vmem>>, vector<1024x6xf32>
    %get3A_2 = arith.constant 0 : index
    %get3A_3 = arith.constant 0 : index
    %get3A_4 = vector.load %arg7[%get3A_2, %get3A_3] : memref<6x12xf32, #tpu.memory_space<vmem>>, vector<6x12xf32>
    %dot_general3A = arith.constant dense<0.000000e+00> : vector<1024x12xf32>
    %dot_general3A_5 = tpu.matmul %get3A_1, %get3A_4, %dot_general3A {dimension_numbers = #tpu.dot_dimension_numbers<[1], [0], [0], [1], [0, 0, 1, 1], [], []>, transpose_lhs_hint = false} : vector<1024x6xf32>, vector<6x12xf32>, vector<1024x12xf32> -> vector<1024x12xf32>
    %get3A_6 = arith.constant 0 : index
    %get3A_7 = arith.constant 0 : index
    %get3A_8 = vector.load %arg8[%get3A_6, %get3A_7] : memref<1x12xf32, #tpu.memory_space<vmem>>, vector<1x12xf32>
    %add3A = vector.broadcast %get3A_8 : vector<1x12xf32> to vector<1024x12xf32>
    %add3A_9 = arith.addf %dot_general3A_5, %add3A : vector<1024x12xf32>
    %max3A = arith.constant 0.000000e+00 : f32
    %max3A_10 = vector.broadcast %max3A : f32 to vector<1024x12xf32>
    %max3A_11 = arith.maximumf %add3A_9, %max3A_10 : vector<1024x12xf32>
    %get3A_12 = arith.constant 0 : index
    %get3A_13 = arith.constant 0 : index
    %get3A_14 = vector.load %arg9[%get3A_12, %get3A_13] : memref<12x6xf32, #tpu.memory_space<vmem>>, vector<12x6xf32>
    %dot_general3A_15 = arith.constant dense<0.000000e+00> : vector<1024x6xf32>
    %dot_general3A_16 = tpu.matmul %max3A_11, %get3A_14, %dot_general3A_15 {dimension_numbers = #tpu.dot_dimension_numbers<[1], [0], [0], [1], [0, 0, 1, 1], [], []>, transpose_lhs_hint = false} : vector<1024x12xf32>, vector<12x6xf32>, vector<1024x6xf32> -> vector<1024x6xf32>
    %get3A_17 = arith.constant 0 : index
    %get3A_18 = arith.constant 0 : index
    %get3A_19 = vector.load %arg10[%get3A_17, %get3A_18] : memref<1x6xf32, #tpu.memory_space<vmem>>, vector<1x6xf32>
    %add3A_20 = vector.broadcast %get3A_19 : vector<1x6xf32> to vector<1024x6xf32>
    %add3A_21 = arith.addf %dot_general3A_16, %add3A_20 : vector<1024x6xf32>
    %get3A_22 = arith.constant 0 : index
    %get3A_23 = arith.constant 0 : index
    %get3A_24 = vector.load %arg6[%get3A_22, %get3A_23] : memref<1024x2xf32, #tpu.memory_space<vmem>>, vector<1024x2xf32>
    %get3A_25 = arith.constant 0 : index
    %get3A_26 = arith.constant 0 : index
    %get3A_27 = vector.load %arg11[%get3A_25, %get3A_26] : memref<2x8xf32, #tpu.memory_space<vmem>>, vector<2x8xf32>
    %dot_general3A_28 = arith.constant dense<0.000000e+00> : vector<1024x8xf32>
    %dot_general3A_29 = tpu.matmul %get3A_24, %get3A_27, %dot_general3A_28 {dimension_numbers = #tpu.dot_dimension_numbers<[1], [0], [0], [1], [0, 0, 1, 1], [], []>, transpose_lhs_hint = false} : vector<1024x2xf32>, vector<2x8xf32>, vector<1024x8xf32> -> vector<1024x8xf32>
    %get3A_30 = arith.constant 0 : index
    %get3A_31 = arith.constant 0 : index
    %get3A_32 = vector.load %arg12[%get3A_30, %get3A_31] : memref<1x8xf32, #tpu.memory_space<vmem>>, vector<1x8xf32>
    %add3A_33 = vector.broadcast %get3A_32 : vector<1x8xf32> to vector<1024x8xf32>
    %add3A_34 = arith.addf %dot_general3A_29, %add3A_33 : vector<1024x8xf32>
    %max3A_35 = arith.constant 0.000000e+00 : f32
    %max3A_36 = vector.broadcast %max3A_35 : f32 to vector<1024x8xf32>
    %max3A_37 = arith.maximumf %add3A_34, %max3A_36 : vector<1024x8xf32>
    %get3A_38 = arith.constant 0 : index
    %get3A_39 = arith.constant 0 : index
    %get3A_40 = vector.load %arg13[%get3A_38, %get3A_39] : memref<8x4xf32, #tpu.memory_space<vmem>>, vector<8x4xf32>
    %dot_general3A_41 = arith.constant dense<0.000000e+00> : vector<1024x4xf32>
    %dot_general3A_42 = tpu.matmul %max3A_37, %get3A_40, %dot_general3A_41 {dimension_numbers = #tpu.dot_dimension_numbers<[1], [0], [0], [1], [0, 0, 1, 1], [], []>, transpose_lhs_hint = false} : vector<1024x8xf32>, vector<8x4xf32>, vector<1024x4xf32> -> vector<1024x4xf32>
    %get3A_43 = arith.constant 0 : index
    %get3A_44 = arith.constant 0 : index
    %get3A_45 = vector.load %arg14[%get3A_43, %get3A_44] : memref<1x4xf32, #tpu.memory_space<vmem>>, vector<1x4xf32>
    %add3A_46 = vector.broadcast %get3A_45 : vector<1x4xf32> to vector<1024x4xf32>
    %add3A_47 = arith.addf %dot_general3A_42, %add3A_46 : vector<1024x4xf32>
    %get3A_48 = arith.constant 0 : index
    %get3A_49 = arith.constant 0 : index
    %get3A_50 = vector.load %arg1[%get3A_48, %get3A_49] : memref<1024x64xf32, #tpu.memory_space<vmem>>, vector<1024x64xf32>
    %convert_element_type3A = arith.truncf %get3A_50 : vector<1024x64xf32> to vector<1024x64xbf16>
    %get3A_51 = arith.constant 0 : index
    %get3A_52 = arith.constant 0 : index
    %get3A_53 = vector.load %arg2[%get3A_51, %get3A_52] : memref<1024x256xf32, #tpu.memory_space<vmem>>, vector<1024x256xf32>
    %convert_element_type3A_54 = arith.truncf %get3A_53 : vector<1024x256xf32> to vector<1024x256xbf16>
    %get3A_55 = arith.constant 0 : index
    %get3A_56 = arith.constant 0 : index
    %get3A_57 = vector.load %arg3[%get3A_55, %get3A_56] : memref<1024x512xf32, #tpu.memory_space<vmem>>, vector<1024x512xf32>
    %get3A_58 = arith.constant 0 : index
    %get3A_59 = arith.constant 0 : index
    %get3A_60 = vector.load %arg4[%get3A_58, %get3A_59] : memref<1024x1xf32, #tpu.memory_space<vmem>>, vector<1024x1xf32>
    %mul3A = vector.broadcast %get3A_60 : vector<1024x1xf32> to vector<1024x512xf32>
    %mul3A_61 = arith.mulf %get3A_57, %mul3A : vector<1024x512xf32>
    %convert_element_type3A_62 = arith.truncf %mul3A_61 : vector<1024x512xf32> to vector<1024x512xbf16>
    %concatenate3A = tpu.concatenate %convert_element_type3A, %convert_element_type3A_54, %convert_element_type3A_62 in 1 : vector<1024x64xbf16>, vector<1024x256xbf16>, vector<1024x512xbf16> -> vector<1024x832xbf16>
    %get3A_63 = arith.constant 0 : index
    %get3A_64 = arith.constant 0 : index
    %get3A_65 = vector.load %arg15[%get3A_63, %get3A_64] : memref<832x2048xbf16, #tpu.memory_space<vmem>>, vector<832x2048xbf16>
    %dot_general3A_66 = arith.constant dense<0.000000e+00> : vector<1024x2048xf32>
    %dot_general3A_67 = tpu.matmul %concatenate3A, %get3A_65, %dot_general3A_66 {dimension_numbers = #tpu.dot_dimension_numbers<[1], [0], [0], [1], [0, 0, 1, 1], [], []>, transpose_lhs_hint = false} : vector<1024x832xbf16>, vector<832x2048xbf16>, vector<1024x2048xf32> -> vector<1024x2048xf32>
    %convert_element_type3A_68 = arith.truncf %add3A_21 : vector<1024x6xf32> to vector<1024x6xbf16>
    %get3A_69 = arith.constant 0 : index
    %get3A_70 = arith.constant 0 : index
    %get3A_71 = vector.load %arg16[%get3A_69, %get3A_70] : memref<6x2048xbf16, #tpu.memory_space<vmem>>, vector<6x2048xbf16>
    %dot_general3A_72 = arith.constant dense<0.000000e+00> : vector<1024x2048xf32>
    %dot_general3A_73 = tpu.matmul %convert_element_type3A_68, %get3A_71, %dot_general3A_72 {dimension_numbers = #tpu.dot_dimension_numbers<[1], [0], [0], [1], [0, 0, 1, 1], [], []>, transpose_lhs_hint = false} : vector<1024x6xbf16>, vector<6x2048xbf16>, vector<1024x2048xf32> -> vector<1024x2048xf32>
    %add3A_74 = arith.addf %dot_general3A_67, %dot_general3A_73 : vector<1024x2048xf32>
    %convert_element_type3A_75 = arith.truncf %add3A_47 : vector<1024x4xf32> to vector<1024x4xbf16>
    %get3A_76 = arith.constant 0 : index
    %get3A_77 = arith.constant 0 : index
    %get3A_78 = vector.load %arg17[%get3A_76, %get3A_77] : memref<4x2048xbf16, #tpu.memory_space<vmem>>, vector<4x2048xbf16>
    %dot_general3A_79 = arith.constant dense<0.000000e+00> : vector<1024x2048xf32>
    %dot_general3A_80 = tpu.matmul %convert_element_type3A_75, %get3A_78, %dot_general3A_79 {dimension_numbers = #tpu.dot_dimension_numbers<[1], [0], [0], [1], [0, 0, 1, 1], [], []>, transpose_lhs_hint = false} : vector<1024x4xbf16>, vector<4x2048xbf16>, vector<1024x2048xf32> -> vector<1024x2048xf32>
    %add3A_81 = arith.addf %add3A_74, %dot_general3A_80 : vector<1024x2048xf32>
    %get3A_82 = arith.constant 0 : index
    %get3A_83 = arith.constant 0 : index
    %get3A_84 = vector.load %arg18[%get3A_82, %get3A_83] : memref<1x2048xf32, #tpu.memory_space<vmem>>, vector<1x2048xf32>
    %add3A_85 = vector.broadcast %get3A_84 : vector<1x2048xf32> to vector<1024x2048xf32>
    %add3A_86 = arith.addf %add3A_81, %add3A_85 : vector<1024x2048xf32>
    %max3A_87 = arith.constant 0.000000e+00 : f32
    %max3A_88 = vector.broadcast %max3A_87 : f32 to vector<1024x2048xf32>
    %max3A_89 = arith.maximumf %add3A_86, %max3A_88 : vector<1024x2048xf32>
    %convert_element_type3A_90 = arith.truncf %max3A_89 : vector<1024x2048xf32> to vector<1024x2048xbf16>
    %get3A_91 = arith.constant 0 : index
    %get3A_92 = arith.constant 0 : index
    %get3A_93 = vector.load %arg19[%get3A_91, %get3A_92] : memref<2048x1024xbf16, #tpu.memory_space<vmem>>, vector<2048x1024xbf16>
    %dot_general3A_94 = arith.constant dense<0.000000e+00> : vector<1024x1024xf32>
    %dot_general3A_95 = tpu.matmul %convert_element_type3A_90, %get3A_93, %dot_general3A_94 {dimension_numbers = #tpu.dot_dimension_numbers<[1], [0], [0], [1], [0, 0, 1, 1], [], []>, transpose_lhs_hint = false} : vector<1024x2048xbf16>, vector<2048x1024xbf16>, vector<1024x1024xf32> -> vector<1024x1024xf32>
    %get3A_96 = arith.constant 0 : index
    %get3A_97 = arith.constant 0 : index
    %get3A_98 = vector.load %arg20[%get3A_96, %get3A_97] : memref<1x1024xf32, #tpu.memory_space<vmem>>, vector<1x1024xf32>
    %add3A_99 = vector.broadcast %get3A_98 : vector<1x1024xf32> to vector<1024x1024xf32>
    %add3A_100 = arith.addf %dot_general3A_95, %add3A_99 : vector<1024x1024xf32>
    %max3A_101 = arith.constant 0.000000e+00 : f32
    %max3A_102 = vector.broadcast %max3A_101 : f32 to vector<1024x1024xf32>
    %max3A_103 = arith.maximumf %add3A_100, %max3A_102 : vector<1024x1024xf32>
    %convert_element_type3A_104 = arith.truncf %max3A_103 : vector<1024x1024xf32> to vector<1024x1024xbf16>
    %get3A_105 = arith.constant 0 : index
    %get3A_106 = arith.constant 0 : index
    %get3A_107 = vector.load %arg21[%get3A_105, %get3A_106] : memref<1024x512xbf16, #tpu.memory_space<vmem>>, vector<1024x512xbf16>
    %dot_general3A_108 = arith.constant dense<0.000000e+00> : vector<1024x512xf32>
    %dot_general3A_109 = tpu.matmul %convert_element_type3A_104, %get3A_107, %dot_general3A_108 {dimension_numbers = #tpu.dot_dimension_numbers<[1], [0], [0], [1], [0, 0, 1, 1], [], []>, transpose_lhs_hint = false} : vector<1024x1024xbf16>, vector<1024x512xbf16>, vector<1024x512xf32> -> vector<1024x512xf32>
    %get3A_110 = arith.constant 0 : index
    %get3A_111 = arith.constant 0 : index
    %get3A_112 = vector.load %arg22[%get3A_110, %get3A_111] : memref<1x512xf32, #tpu.memory_space<vmem>>, vector<1x512xf32>
    %add3A_113 = vector.broadcast %get3A_112 : vector<1x512xf32> to vector<1024x512xf32>
    %add3A_114 = arith.addf %dot_general3A_109, %add3A_113 : vector<1024x512xf32>
    %swap3A = arith.constant 0 : index
    %swap3A_115 = arith.constant 0 : index
    %swap3A_116 = vector.load %arg23[%swap3A, %swap3A_115] : memref<1024x512xf32, #tpu.memory_space<vmem>>, vector<1024x512xf32>
    tpu.vector_store %arg23[%swap3A, %swap3A_115], %add3A_114 {strides = array<i32>} : memref<1024x512xf32, #tpu.memory_space<vmem>>, vector<1024x512xf32>,
    return
  }
  func.func @transform_0(%arg0: i32) -> (i32, i32) {
    %c0_i32 = arith.constant 0 : i32
    %c0_i32_0 = arith.constant 0 : i32
    return %arg0, %c0_i32 : i32, i32
  }
  func.func @transform_1(%arg0: i32) -> (i32, i32) {
    %c0_i32 = arith.constant 0 : i32
    %c0_i32_0 = arith.constant 0 : i32
    return %arg0, %c0_i32 : i32, i32
  }
  func.func @transform_2(%arg0: i32) -> (i32, i32) {
    %c0_i32 = arith.constant 0 : i32
    %c0_i32_0 = arith.constant 0 : i32
    return %arg0, %c0_i32 : i32, i32
  }
  func.func @transform_3(%arg0: i32) -> (i32, i32) {
    %c0_i32 = arith.constant 0 : i32
    %c0_i32_0 = arith.constant 0 : i32
    return %arg0, %c0_i32 : i32, i32
  }
  func.func @transform_4(%arg0: i32) -> (i32, i32) {
    %c0_i32 = arith.constant 0 : i32
    %c0_i32_0 = arith.constant 0 : i32
    return %arg0, %c0_i32 : i32, i32
  }
  func.func @transform_5(%arg0: i32) -> (i32, i32) {
    %c0_i32 = arith.constant 0 : i32
    %c0_i32_0 = arith.constant 0 : i32
    return %arg0, %c0_i32 : i32, i32
  }
  func.func @transform_6(%arg0: i32) -> (i32, i32) {
    %c0_i32 = arith.constant 0 : i32
    %c0_i32_0 = arith.constant 0 : i32
    %c0_i32_1 = arith.constant 0 : i32
    return %c0_i32, %c0_i32_0 : i32, i32
  }
  func.func @transform_7(%arg0: i32) -> (i32, i32) {
    %c0_i32 = arith.constant 0 : i32
    %c0_i32_0 = arith.constant 0 : i32
    %c0_i32_1 = arith.constant 0 : i32
    return %c0_i32, %c0_i32_0 : i32, i32
  }
  func.func @transform_8(%arg0: i32) -> (i32, i32) {
    %c0_i32 = arith.constant 0 : i32
    %c0_i32_0 = arith.constant 0 : i32
    %c0_i32_1 = arith.constant 0 : i32
    return %c0_i32, %c0_i32_0 : i32, i32
  }
  func.func @transform_9(%arg0: i32) -> (i32, i32) {
    %c0_i32 = arith.constant 0 : i32
    %c0_i32_0 = arith.constant 0 : i32
    %c0_i32_1 = arith.constant 0 : i32
    return %c0_i32, %c0_i32_0 : i32, i32
  }
  func.func @transform_10(%arg0: i32) -> (i32, i32) {
    %c0_i32 = arith.constant 0 : i32
    %c0_i32_0 = arith.constant 0 : i32
    %c0_i32_1 = arith.constant 0 : i32
    return %c0_i32, %c0_i32_0 : i32, i32
  }
  func.func @transform_11(%arg0: i32) -> (i32, i32) {
    %c0_i32 = arith.constant 0 : i32
    %c0_i32_0 = arith.constant 0 : i32
    %c0_i32_1 = arith.constant 0 : i32
    return %c0_i32, %c0_i32_0 : i32, i32
  }
  func.func @transform_12(%arg0: i32) -> (i32, i32) {
    %c0_i32 = arith.constant 0 : i32
    %c0_i32_0 = arith.constant 0 : i32
    %c0_i32_1 = arith.constant 0 : i32
    return %c0_i32, %c0_i32_0 : i32, i32
  }
  func.func @transform_13(%arg0: i32) -> (i32, i32) {
    %c0_i32 = arith.constant 0 : i32
    %c0_i32_0 = arith.constant 0 : i32
    %c0_i32_1 = arith.constant 0 : i32
    return %c0_i32, %c0_i32_0 : i32, i32
  }
  func.func @transform_14(%arg0: i32) -> (i32, i32) {
    %c0_i32 = arith.constant 0 : i32
    %c0_i32_0 = arith.constant 0 : i32
    %c0_i32_1 = arith.constant 0 : i32
    return %c0_i32, %c0_i32_0 : i32, i32
  }
  func.func @transform_15(%arg0: i32) -> (i32, i32) {
    %c0_i32 = arith.constant 0 : i32
    %c0_i32_0 = arith.constant 0 : i32
    %c0_i32_1 = arith.constant 0 : i32
    return %c0_i32, %c0_i32_0 : i32, i32
  }
  func.func @transform_16(%arg0: i32) -> (i32, i32) {
    %c0_i32 = arith.constant 0 : i32
    %c0_i32_0 = arith.constant 0 : i32
    %c0_i32_1 = arith.constant 0 : i32
    return %c0_i32, %c0_i32_0 : i32, i32
  }
  func.func @transform_17(%arg0: i32) -> (i32, i32) {
    %c0_i32 = arith.constant 0 : i32
    %c0_i32_0 = arith.constant 0 : i32
    %c0_i32_1 = arith.constant 0 : i32
    return %c0_i32, %c0_i32_0 : i32, i32
  }
  func.func @transform_18(%arg0: i32) -> (i32, i32) {
    %c0_i32 = arith.constant 0 : i32
    %c0_i32_0 = arith.constant 0 : i32
    %c0_i32_1 = arith.constant 0 : i32
    return %c0_i32, %c0_i32_0 : i32, i32
  }
  func.func @transform_19(%arg0: i32) -> (i32, i32) {
    %c0_i32 = arith.constant 0 : i32
    %c0_i32_0 = arith.constant 0 : i32
    %c0_i32_1 = arith.constant 0 : i32
    return %c0_i32, %c0_i32_0 : i32, i32
  }
  func.func @transform_20(%arg0: i32) -> (i32, i32) {
    %c0_i32 = arith.constant 0 : i32
    %c0_i32_0 = arith.constant 0 : i32
    %c0_i32_1 = arith.constant 0 : i32
    return %c0_i32, %c0_i32_0 : i32, i32
  }
  func.func @transform_21(%arg0: i32) -> (i32, i32) {
    %c0_i32 = arith.constant 0 : i32
    %c0_i32_0 = arith.constant 0 : i32
    %c0_i32_1 = arith.constant 0 : i32
    return %c0_i32, %c0_i32_0 : i32, i32
  }
  func.func @transform_22(%arg0: i32) -> (i32, i32) {
    %c0_i32 = arith.constant 0 : i32
    %c0_i32_0 = arith.constant 0 : i32
    return %arg0, %c0_i32 : i32, i32
  }
}

</mosaic_0001>

<sc_bundles>
// kernel: kernel.4.cloned.1.call-start
scs
__scs_entry_jumppad:
0x0: {  	(pc) =	sbr.rel $0x88, $3  }
0x1: {  	(tag) =	ssettag $0x0;
	lr =	simm.s32 $0x1  }
0x2: {  	[smem:$0x3F8C] =	sst lr;
	_ =	strace $0xD0000000  }
0x3: {  	_ = 	snop  }
0x4: {  	_ = 	snop  }
0x5: {  	_ = 	snop  }
0x6: {  	_ = 	snop  }
0x7: {  	_ = 	snop  }
__scs_overlays_trampoline_lowered:
0x8: {  	[smem:$0x3F9B] =	sst s0  }
0x9: {  	[smem:$0x3F9C] =	sst s1  }
0xa: {  	[smem:$0x3F9D] =	sst s2  }
0xb: {  	[smem:$0x3F9E] =	sst s3  }
0xc: {  	[smem:$0x3F9F] =	sst s4  }
0xd: {  	[smem:$0x3FA0] =	sst s5  }
0xe: {  	[smem:$0x3FA1] =	sst s6  }
0xf: {  	[smem:$0x3FA2] =	sst s7  }
0x10: {  	[smem:$0x3FA3] =	sst s8  }
0x11: {  	[smem:$0x3FA4] =	sst s9;
	s0 =	simm.s32 @!p0 $0x0  }
0x12: {  	s1 =	sld [smem:$0x3F8A];
	s0 =	simm.s32 @p0 $0x1  }
0x13: {  	[smem:$0x3FA5] =	sst s0;
	s0 =	simm.s32 @!p1 $0x0  }
0x14: {  	s2 =	sld [smem:$0x3F89];
	s0 =	simm.s32 @p1 $0x1  }
0x15: {  	[smem:$0x3FA6] =	sst s0;
	s0 =	simm.s32 @!p2 $0x0  }
0x16: {  	s3 =	sld [smem:$0x3FDB];
	s0 =	simm.s32 @p2 $0x1  }
0x17: {  	s4 =	simm.s32 $0x1BF5;
	[smem:$0x3FA8] =	sst s0  }
0x18: {  	s0 =	sld [smem:$0x3F8B];
	_ =	swait.ge [sflag:s4], $0x0  }
0x19: {  	s7 =	sld [smem:$0x3F8C]  }
0x1a: {  	s8 =	sadd.s32 $0xFFFFE003, lr  }
0x1b: {  	s9 =	sadd.s32 $0xFFFFFEF7, lr;
	s5 =	simm.s32 $0xFFFFFFFF;
	p2 =	slt.u32 s8, $0xFFFFF086  }
0x1c: {  	p1 =	slt.u32 s9, $0xF7A;
	s5 =	simm.s32 @!p2 $0x0  }
0x1d: {  	s5 =	simm.s32 @p1 $0x1;
	p0 =	seq.s32 s7, s2  }
0x1e: {  	s7 =	smul.u32 @!p0 $0xF7A, s2;
	p2 =	seq.s32 @!p0 s5, $0x0  }
0x1f: {  	s9 =	smul.u32 $0xF7A, s1;
	s8 =	simm.s32 @!p0 $0x1BF5;
	p2 =	por !p2, p0  }
0x20: {  	[sflag:s8] =	ssyncset.s32 @!p0 $0xFFFFF086;
	s6 =	sadd.s32 @!p0 s3, s7;
	s7 =	simm.s32 @!p0 $0x108  }
0x21: {  	s3 =	sadd.s32 s3, s9;
	s6 =	sadd.s32 @!p0 $0x88, s6;
	s7 =	simm.s32 @p2 $0x1082  }
0x22: {  	[simem:s7], [sflag:s8] =	dma.local @!p0 [hbm:s6], $0xF7A  }
0x23: {  	s9 =	sor.u32 $0xD0000000, s2;
	s6 =	simm.s32 $0x108;
	_ =	swait.ge @!p0 [sflag:s8], $0x0  }
0x24: {  	s3 =	sadd.s32 $0x88, s3;
	s6 =	simm.s32 @!p1 $0x1082;
	[sflag:s4] =	ssyncset.s32 $0xFFFFF086  }
0x25: {  	[simem:s6], [sflag:s4] =	dma.local [hbm:s3], $0xF7A  }
0x26: {  	[smem:$0x3F8C] =	sst s1;
	(tag) =	ssettag s2;
	_ =	strace s9  }
0x27: {  	s1 =	sld [smem:$0x3F9C]  }
0x28: {  	s2 =	sld [smem:$0x3F9D]  }
0x29: {  	s4 =	sld [smem:$0x3F9F]  }
0x2a: {  	p0 =	seq.s32 s5, $0x0;
	s5 =	sld [smem:$0x3FA0]  }
0x2b: {  	s6 =	sld [smem:$0x3FA1]  }
0x2c: {  	s7 =	sld [smem:$0x3FA2]  }
0x2d: {  	s3 =	simm.s32 $0x108;
	s8 =	sld [smem:$0x3FA3]  }
0x2e: {  	s3 =	simm.s32 @!p0 $0x1082;
	s9 =	sld [smem:$0x3FA4]  }
0x2f: {  	lr =	sadd.s32 s0, s3;
	s0 =	sld [smem:$0x3F9B]  }
0x30: {  	s3 =	sld [smem:$0x3F9E]  }
0x31: {  	[smem:$0x3FA7] =	sst s10  }
0x32: {  	s10 =	sld [smem:$0x3FA5];
	_ =	sdelay $0x3  }
0x33: {  	p0 =	seq.s32 s10, $0x1;
	s10 =	sld [smem:$0x3FA7];
	_ =	sdelay $0x3  }
0x34: {  	[smem:$0x3FA7] =	sst s10  }
0x35: {  	s10 =	sld [smem:$0x3FA6];
	_ =	sdelay $0x3  }
0x36: {  	p1 =	seq.s32 s10, $0x1;
	s10 =	sld [smem:$0x3FA7];
	_ =	sdelay $0x3  }
0x37: {  	[smem:$0x3FA7] =	sst s10  }
0x38: {  	s10 =	sld [smem:$0x3FA8]  }
0x39: {  	_ = 	snop;
	(pc) =	sbr.ind lr, $3  }
0x3a: {  	_ = 	snop  }
0x3b: {  	_ = 	snop  }
0x3c: {  	p2 =	seq.s32 s10, $0x1;
	s10 =	sld [smem:$0x3FA7]  }
0x3d: {  	_ =	shalt  }
0x3e: {  	_ =	shalt  }
0x3f: {  	_ =	shalt  }
0x40: {  	_ =	shalt  }
0x41: {  	_ =	shalt  }
0x42: {  	_ =	shalt  }
0x43: {  	_ =	shalt  }
0x44: {  	_ =	shalt  }
0x45: {  	_ =	shalt  }
0x46: {  	_ =	shalt  }
0x47: {  	_ =	shalt  }
0x48: {  	_ =	shalt  }
0x49: {  	_ =	shalt  }
0x4a: {  	_ =	shalt  }
0x4b: {  	_ =	shalt  }
0x4c: {  	_ =	shalt  }
0x4d: {  	_ =	shalt  }
0x4e: {  	_ =	shalt  }
0x4f: {  	_ =	shalt  }
0x50: {  	_ =	shalt  }
0x51: {  	_ =	shalt  }
0x52: {  	_ =	shalt  }
0x53: {  	_ =	shalt  }
0x54: {  	_ =	shalt  }
0x55: {  	_ =	shalt  }
0x56: {  	_ =	shalt  }
0x57: {  	_ =	shalt  }
0x58: {  	_ =	shalt  }
0x59: {  	_ =	shalt  }
0x5a: {  	_ =	shalt  }
0x5b: {  	_ =	shalt  }
0x5c: {  	_ =	shalt  }
0x5d: {  	_ =	shalt  }
0x5e: {  	_ =	shalt  }
0x5f: {  	_ =	shalt  }
0x60: {  	_ =	shalt  }
0x61: {  	_ =	shalt  }
0x62: {  	_ =	shalt  }
0x63: {  	_ =	shalt  }
0x64: {  	_ =	shalt  }
0x65: {  	_ =	shalt  }
0x66: {  	_ =	shalt  }
0x67: {  	_ =	shalt  }
0x68: {  	_ =	shalt  }
0x69: {  	_ =	shalt  }
0x6a: {  	_ =	shalt  }
0x6b: {  	_ =	shalt  }
0x6c: {  	_ =	shalt  }
0x6d: {  	_ =	shalt  }
0x6e: {  	_ =	shalt  }
0x6f: {  	_ =	shalt  }
0x70: {  	_ =	shalt  }
0x71: {  	_ =	shalt  }
0x72: {  	_ =	shalt  }
0x73: {  	_ =	shalt  }
0x74: {  	_ =	shalt  }
0x75: {  	_ =	shalt  }
0x76: {  	_ =	shalt  }
0x77: {  	_ =	shalt  }
0x78: {  	_ =	shalt  }
0x79: {  	_ =	shalt  }
0x7a: {  	_ =	shalt  }
0x7b: {  	_ =	shalt  }
0x7c: {  	_ =	shalt  }
0x7d: {  	_ =	shalt  }
0x7e: {  	_ =	shalt  }
0x7f: {  	_ =	shalt  }
0x80: {  	_ =	shalt  }
0x81: {  	_ =	shalt  }
0x82: {  	_ =	shalt  }
0x83: {  	_ =	shalt  }
0x84: {  	_ =	shalt  }
0x85: {  	_ =	shalt  }
0x86: {  	_ =	shalt  }
0x87: {  	_ =	shalt  }
.Lfunc_end0:
.L_simem_size_0:
called_computation_lowered:
.L_overlay_start_0:
0x88: {  	s2 =	sld [smem:$0x3FD9]  }
0x89: {  	s3 =	sld [smem:$0x3FFE];
	_ =	sdelay $0x1  }
0x8a: {  	s1 =	srdreg.scid  }
0x8b: {  	s0 =	sand.u32 $0x1, s1  }
0x8c: {  	s17 =	sshll.u32 s0, $0xA;
	s2 =	sadd.s32 s3, s2  }
0x8d: {  	s2 =	sadd.s32 s2, s17  }
0x8e: {  	[smem:$0x3FB3] =	sst s2  }
0x8f: {  	_ = 	snop  }
0x90: {  	s2 =	sld [smem:$0x3FD0];
	(tm) =	ssettm $0x1  }
0x91: {  	s18 =	sld [smem:$0x3FFB];
	_ =	sdelay $0x3  }
0x92: {  	_ =	strace s18  }
0x93: {  	s3 =	sld [smem:$0x3FFC];
	_ =	sdelay $0x3  }
0x94: {  	_ =	strace s3  }
0x95: {  	s3 =	sld [smem:$0x3FFD];
	_ =	sdelay $0x3  }
0x96: {  	_ =	strace s3  }
0x97: {  	_ =	strace $0x8FFFFFFF  }
0x98: {  	s19 =	sld [smem:$0x3FDB];
	_ =	sdelay $0x1  }
0x99: {  	s4 =	simm.s32 $_scs_section_size  }
0x9a: {  	s5 =	simm.s32 $_size__tile_overlayer_lowered;
	s6 =	simm.s32 $_tile_overlayer_lowered  }
0x9b: {  	s22 =	simm.s32 $0x1BFF;
	s21 =	sshll.u32 s6, $0x1;
	s3 =	sadd.s32 s4, s19  }
0x9c: {  	s7 =	simm.s32 $0x0;
	s20 =	sshll.u32 s5, $0x1;
	s5 =	sadd.s32 s21, s3  }
0x9d: {  	[timem:s7], [sflag:s22] =	dma.local [hbm:s5], s20  }
0x9e: {  	_ =	swait.ge [sflag:s22], s20  }
0x9f: {  	s4 =	ssub.s32 $0x0, s20;
	[sflag:s22] =	ssyncset.done $0x0  }
0xa0: {  	[sflag:s22] =	ssyncadd.s32 s4;
	_ =	sdelay $0x1  }
0xa1: {  	s23 =	simm.s32 $0x1B8B  }
0xa2: {  	_ =	swait.ge [sflag:s23], $0x1  }
0xa3: {  	[sflag:s23] =	ssyncset.done $0x0  }
0xa4: {  	s25 =	simm.s32 $0x1B8E;
	s24 =	sld [smem:$0x3FFE];
	[sflag:s23] =	ssyncadd.s32 $0xFFFFFFFF  }
0xa5: {  	s26 =	simm.s32 $execute0_lowered;
	[smem:$0x3FD2] =	sst s25  }
0xa6: {  	s5 =	sshll.u32 s26, $0x1;
	_ =	strace $0x80000046;
	[dreg:$0x1] =	wrdreg $0xFFFFFFFF  }
0xa7: {  	s28 =	simm.s32 $_size_execute0_lowered;
	s3 =	sadd.s32 s3, s5;
	[dreg:$0x0] =	wrdreg $0x0  }
0xa8: {  	s5 =	sshll.u32 s28, $0x1;
	[dreg:$0x2] =	wrdreg s3  }
0xa9: {  	[dreg:$0x3] =	wrdreg s5  }
0xaa: {  	[dreg:$0x4] =	wrdreg $0xC0  }
0xab: {  	_ =	task [dreg:s7], $0x5FFFF  }
0xac: {  	[dreg:$0x1] =	wrdreg $0xFFFFFFFF  }
0xad: {  	[dreg:$0x0] =	wrdreg $0x60  }
0xae: {  	[dreg:$0x2] =	wrdreg s24  }
0xaf: {  	[dreg:$0x3] =	wrdreg s2  }
0xb0: {  	[dreg:$0x4] =	wrdreg $0x9  }
0xb1: {  	_ =	task.clear_ibuf [dreg:s7], $0x5FFFF;
	_ =	strace $0x90000046  }
0xb2: {  	s29 =	simm.s32 $0x9;
	_ =	strace $0x80000048  }
0xb3: {  	_ =	swait.ge [sflag:s29], $0x1  }
0xb4: {  	[sflag:s29] =	ssyncadd.s32 $0xFFFFFFFF  }
0xb5: {  	_ =	strace $0x90000048  }
0xb6: {  	_ =	sfence  }
0xb7: {  	s30 =	sld [smem:$0x0];
	_ =	sdelay $0x2  }
0xb8: {  	s31 =	sshll.u32 s1, $0xD;
	s1 =	sshrl.u32 s1, $0x2  }
0xb9: {  	s3 =	sand.u32 $0x4000, s31;
	s1 =	sadd.s32 s1, s30  }
0xba: {  	s0 =	sor.u32 s3, s0;
	s1 =	sshll.u32 s1, $0x11  }
0xbb: {  	s0 =	sor.u32 s1, s0  }
0xbc: {  	s0 =	sadd.s32 $0x8F2B, s0  }
0xbd: {  	[sflag:s0] =	ssyncadd.remote.s32 $0x1  }
0xbe: {  	_ =	sfence.sel $0xFFFF  }
0xbf: {  	[dreg:$0x0] =	wrdreg $0xFFFFFFFF;
	(pc) =	sbr.abs _section_cstart, $3  }
0xc0: {  	[dreg:$0x1] =	wrdreg $0xFFFFFFFF  }
0xc1: {  	_ =	task.clear_ibuf [dreg:s7], $0x2FFFF;
	_ =	strace $0x9FFFFFFF  }
0xc2: {  	(tm) =	ssettm $0x7FFFFFFF  }
0xc3: {  	_ =	shalt  }
tec
execute0_lowered:
.L_overlay_start_1:
0x0: {  	(tag) =	ssettag $0x1  }
0x1: {  	s2 =	srdreg.scid  }
0x2: {  	s4 =	stileid.u32;
	s3 =	sand.u32 $0x1, s2  }
0x3: {  	s4 =	sshll.u32 s4, $0xD;
	s5 =	sshll.u32 s3, $0xC  }
0x4: {  	s0 =	rddreg [dreg:$0x0];
	s4 =	sor.u32 s5, s4  }
0x5: {  	s1 =	rddreg [dreg:$0x1];
	s5 =	sshrl.u32 s4, $0x3  }
0x6: {  	s2 =	simm.s32 $0x0;
	s4 =	sshll.u32 s4, $0x2;
	s5 =	sadd.s32 s5, s0  }
0x7: {  	[smem:$0x7FF] =	sst s2;
	s4 =	sadd.s32 s1, s4;
	s11 =	sadd.s32 $0x3600, s5  }
0x8: {  	_ =	strace $0x80000047;
	s12 =	sadd.s32 $0x200, s4;
	[dreg:$0x3] =	wrdreg s11  }
0x9: {  	s13 =	sadd.s32 $0x400, s4;
	[dreg:$0x4] =	wrdreg s12  }
0xa: {  	s6 =	ssub.s32 $0x2, s3;
	s14 =	sadd.s32 $0x600, s4;
	[dreg:$0x5] =	wrdreg s13  }
0xb: {  	s3 =	sadd.s32 $0xC38600, s0;
	s15 =	sadd.s32 $0x800, s4;
	[dreg:$0x6] =	wrdreg s14  }
0xc: {  	s7 =	sshrl.u32 s6, $0x1;
	s16 =	sadd.s32 $0xA00, s4;
	[dreg:$0x7] =	wrdreg s15  }
0xd: {  	s10 =	ssub.s32 s6, s7;
	s17 =	sadd.s32 $0xC00, s4;
	[dreg:$0x8] =	wrdreg s16  }
0xe: {  	s18 =	sadd.s32 $0xE00, s4;
	s19 =	sadd.s32 $0x1000, s4;
	[dreg:$0x9] =	wrdreg s17  }
0xf: {  	s20 =	sadd.s32 $0x1200, s4;
	s21 =	sadd.s32 $0x1400, s4;
	[dreg:$0xa] =	wrdreg s18  }
0x10: {  	s22 =	sadd.s32 $0x1600, s4;
	s23 =	sadd.s32 $0x1800, s4;
	[dreg:$0xb] =	wrdreg s19  }
0x11: {  	s24 =	sadd.s32 $0x1A00, s4;
	s25 =	sadd.s32 $0x1C00, s4;
	[dreg:$0xc] =	wrdreg s20  }
0x12: {  	s26 =	sadd.s32 $0x1E00, s4;
	s28 =	sadd.s32 $0x2A00, s4;
	[dreg:$0xd] =	wrdreg s21  }
0x13: {  	s29 =	sadd.s32 $0x2C00, s4;
	s30 =	sadd.s32 $0x2E00, s4;
	[dreg:$0xe] =	wrdreg s22  }
0x14: {  	s31 =	sadd.s32 $0x3000, s4;
	s0 =	sadd.s32 $0x3200, s4;
	[dreg:$0xf] =	wrdreg s23  }
0x15: {  	s1 =	sadd.s32 $0x3400, s4;
	s5 =	sadd.s32 $0x3600, s4;
	[dreg:$0x10] =	wrdreg s24  }
0x16: {  	s6 =	sadd.s32 $0x3800, s4;
	s7 =	sadd.s32 $0x3A00, s4;
	[dreg:$0x11] =	wrdreg s25  }
0x17: {  	s8 =	sadd.s32 $0x3C00, s4;
	s9 =	sadd.s32 $0x3E00, s4;
	[dreg:$0x12] =	wrdreg s26  }
0x18: {  	s21 =	sadd.s32 $0x2000, s4;
	s22 =	sadd.s32 $0x2200, s4;
	s23 =	sadd.s32 $0x2400, s4  }
0x19: {  	s24 =	sadd.s32 $0x2600, s4;
	s25 =	smax.u32 s10, $0x1;
	s26 =	sadd.s32 $0x2800, s4  }
0x1a: {  	v0 =	vlaneseq.u32;
	s10 =	simm.s32 $0x3;
	s11 =	simm.s32 $0x80;
	s12 =	simm.s32 $0x1000  }
0x1b: {  	v0 =	vand.u32 $0x7, v0;
	s13 =	simm.s32 $0x2000;
	s14 =	simm.s32 $0x3000;
	s15 =	simm.s32 $0x1  }
0x1c: {  	v0 =	vmul.u32 $0x186A0, v0;
	s16 =	simm.s32 $0x4000;
	s17 =	simm.s32 $0x2;
	s18 =	simm.s32 $0x0  }
.LBB2_1:
0x1d: {  	s19 =	rddreg [dreg:$0x3]  }
0x1e: {  	[tilespmem:s2], [sflag:$0x3] =	stream.linear.gather [hbm4b:s19+s2], $0x1000, $0x38;
	[tilespmem:$0x5000] =	vst v63  }
0x1f: {  	_ =	swait.ge [sflag:s10], $0x1000  }
0x20: {  	[sflag:s10] =	ssyncset.done $0x0  }
0x21: {  	s20 =	simm.s32 $0x40;
	s19 =	simm.s32 $0x0;
	[sflag:s10] =	ssyncadd.s32 $0xFFFFF000  }
.LBB2_2:
0x22: {  	p0 =	sne.s32 s20, $0x3FC0;
	v1 =	vld [tilespmem:s19+$0x0];
	_ =	sdelay $0x1  }
.Ltmp0:
0x23: {  	(pc) =	sbr.rel @p0 .LBB2_2-.Ltmp0, $3  }
0x24: {  	_ =	sdelay $0x1  }
0x25: {  	v1 =	vadd.s32 v0, v1  }
0x26: {  	[tilespmem:s19+$0x0] =	vst v1;
	s19 =	sshra.s32 s20, $0x2;
	s20 =	sadd.s32 $0x40, s20  }
0x27: {  	v1 =	vld [tilespmem:s19+$0x0];
	_ =	sdelay $0x4  }
0x28: {  	v1 =	vadd.s32 v0, v1  }
0x29: {  	[tilespmem:s19+$0x0] =	vst v1  }
0x2a: {  	[tilespmem:s12], [sflag:$0x1] =	stream.indirect.gather [hbm4b:s3+s11], $0x20, s2, s11, $0xb8;
	[tilespmem:$0x5000] =	vst v63  }
0x2b: {  	_ = 	snop  }
0x2c: {  	[tilespmem:s13], [sflag:$0x1] =	stream.indirect.gather [hbm4b:s3+s11], $0x20, s11, s11, $0xb8;
	[tilespmem:$0x5000] =	vst v63  }
0x2d: {  	s20 =	simm.s32 $0x100  }
0x2e: {  	[tilespmem:s14], [sflag:$0x1] =	stream.indirect.gather [hbm4b:s3+s11], $0x20, s20, s11, $0xb8;
	[tilespmem:$0x5000] =	vst v63  }
0x2f: {  	_ =	swait.ge [sflag:s15], $0x1000  }
0x30: {  	[sflag:s15] =	ssyncset.done $0x0  }
0x31: {  	[sflag:s15] =	ssyncadd.s32 $0xFFFFF000  }
0x32: {  	[hbm4b:s4+s2] =	stream.linear.scatter [tilespmem:s12], [sflag:$0x2], $0x1000, $0x38;
	[tilespmem:$0x5000] =	vst v63  }
0x33: {  	s20 =	simm.s32 $0x180  }
0x34: {  	[tilespmem:s16], [sflag:$0x1] =	stream.indirect.gather [hbm4b:s3+s11], $0x20, s20, s11, $0xb8;
	[tilespmem:$0x5000] =	vst v63  }
0x35: {  	_ =	swait.ge [sflag:s15], $0x1000  }
0x36: {  	[sflag:s15] =	ssyncset.done $0x0  }
0x37: {  	s20 =	rddreg [dreg:$0x4];
	[sflag:s15] =	ssyncadd.s32 $0xFFFFF000  }
0x38: {  	[hbm4b:s20+s2] =	stream.linear.scatter [tilespmem:s13], [sflag:$0x2], $0x1000, $0x38;
	[tilespmem:$0x5000] =	vst v63  }
0x39: {  	_ =	swait.ge [sflag:s17], $0x1000  }
0x3a: {  	[sflag:s17] =	ssyncset.done $0x0  }
0x3b: {  	s20 =	simm.s32 $0x200;
	[sflag:s17] =	ssyncadd.s32 $0xFFFFF000  }
0x3c: {  	[tilespmem:s12], [sflag:$0x1] =	stream.indirect.gather [hbm4b:s3+s11], $0x20, s20, s11, $0xb8;
	[tilespmem:$0x5000] =	vst v63  }
0x3d: {  	_ =	swait.ge [sflag:s15], $0x1000  }
0x3e: {  	[sflag:s15] =	ssyncset.done $0x0  }
0x3f: {  	s20 =	rddreg [dreg:$0x5];
	[sflag:s15] =	ssyncadd.s32 $0xFFFFF000  }
0x40: {  	[hbm4b:s20+s2] =	stream.linear.scatter [tilespmem:s14], [sflag:$0x2], $0x1000, $0x38;
	[tilespmem:$0x5000] =	vst v63  }
0x41: {  	_ =	swait.ge [sflag:s17], $0x1000  }
0x42: {  	[sflag:s17] =	ssyncset.done $0x0  }
0x43: {  	s20 =	simm.s32 $0x280;
	[sflag:s17] =	ssyncadd.s32 $0xFFFFF000  }
0x44: {  	[tilespmem:s13], [sflag:$0x1] =	stream.indirect.gather [hbm4b:s3+s11], $0x20, s20, s11, $0xb8;
	[tilespmem:$0x5000] =	vst v63  }
0x45: {  	_ =	swait.ge [sflag:s15], $0x1000  }
0x46: {  	[sflag:s15] =	ssyncset.done $0x0  }
0x47: {  	s20 =	rddreg [dreg:$0x6];
	[sflag:s15] =	ssyncadd.s32 $0xFFFFF000  }
0x48: {  	[hbm4b:s20+s2] =	stream.linear.scatter [tilespmem:s16], [sflag:$0x2], $0x1000, $0x38;
	[tilespmem:$0x5000] =	vst v63  }
0x49: {  	_ =	swait.ge [sflag:s17], $0x1000  }
0x4a: {  	[sflag:s17] =	ssyncset.done $0x0  }
0x4b: {  	s20 =	simm.s32 $0x300;
	[sflag:s17] =	ssyncadd.s32 $0xFFFFF000  }
0x4c: {  	[tilespmem:s14], [sflag:$0x1] =	stream.indirect.gather [hbm4b:s3+s11], $0x20, s20, s11, $0xb8;
	[tilespmem:$0x5000] =	vst v63  }
0x4d: {  	_ =	swait.ge [sflag:s15], $0x1000  }
0x4e: {  	[sflag:s15] =	ssyncset.done $0x0  }
0x4f: {  	s20 =	rddreg [dreg:$0x7];
	[sflag:s15] =	ssyncadd.s32 $0xFFFFF000  }
0x50: {  	[hbm4b:s20+s2] =	stream.linear.scatter [tilespmem:s12], [sflag:$0x2], $0x1000, $0x38;
	[tilespmem:$0x5000] =	vst v63  }
0x51: {  	_ =	swait.ge [sflag:s17], $0x1000  }
0x52: {  	[sflag:s17] =	ssyncset.done $0x0  }
0x53: {  	s20 =	simm.s32 $0x380;
	[sflag:s17] =	ssyncadd.s32 $0xFFFFF000  }
0x54: {  	[tilespmem:s16], [sflag:$0x1] =	stream.indirect.gather [hbm4b:s3+s11], $0x20, s20, s11, $0xb8;
	[tilespmem:$0x5000] =	vst v63  }
0x55: {  	_ =	swait.ge [sflag:s15], $0x1000  }
0x56: {  	[sflag:s15] =	ssyncset.done $0x0  }
0x57: {  	s20 =	rddreg [dreg:$0x8];
	[sflag:s15] =	ssyncadd.s32 $0xFFFFF000  }
0x58: {  	[hbm4b:s20+s2] =	stream.linear.scatter [tilespmem:s13], [sflag:$0x2], $0x1000, $0x38;
	[tilespmem:$0x5000] =	vst v63  }
0x59: {  	_ =	swait.ge [sflag:s17], $0x1000  }
0x5a: {  	[sflag:s17] =	ssyncset.done $0x0  }
0x5b: {  	s20 =	simm.s32 $0x400;
	[sflag:s17] =	ssyncadd.s32 $0xFFFFF000  }
0x5c: {  	[tilespmem:s12], [sflag:$0x1] =	stream.indirect.gather [hbm4b:s3+s11], $0x20, s20, s11, $0xb8;
	[tilespmem:$0x5000] =	vst v63  }
0x5d: {  	_ =	swait.ge [sflag:s15], $0x1000  }
0x5e: {  	[sflag:s15] =	ssyncset.done $0x0  }
0x5f: {  	s20 =	rddreg [dreg:$0x9];
	[sflag:s15] =	ssyncadd.s32 $0xFFFFF000  }
0x60: {  	[hbm4b:s20+s2] =	stream.linear.scatter [tilespmem:s14], [sflag:$0x2], $0x1000, $0x38;
	[tilespmem:$0x5000] =	vst v63  }
0x61: {  	_ =	swait.ge [sflag:s17], $0x1000  }
0x62: {  	[sflag:s17] =	ssyncset.done $0x0  }
0x63: {  	s20 =	simm.s32 $0x480;
	[sflag:s17] =	ssyncadd.s32 $0xFFFFF000  }
0x64: {  	[tilespmem:s13], [sflag:$0x1] =	stream.indirect.gather [hbm4b:s3+s11], $0x20, s20, s11, $0xb8;
	[tilespmem:$0x5000] =	vst v63  }
0x65: {  	_ =	swait.ge [sflag:s15], $0x1000  }
0x66: {  	[sflag:s15] =	ssyncset.done $0x0  }
0x67: {  	s20 =	rddreg [dreg:$0xa];
	[sflag:s15] =	ssyncadd.s32 $0xFFFFF000  }
0x68: {  	[hbm4b:s20+s2] =	stream.linear.scatter [tilespmem:s16], [sflag:$0x2], $0x1000, $0x38;
	[tilespmem:$0x5000] =	vst v63  }
0x69: {  	_ =	swait.ge [sflag:s17], $0x1000  }
0x6a: {  	[sflag:s17] =	ssyncset.done $0x0  }
0x6b: {  	s20 =	simm.s32 $0x500;
	[sflag:s17] =	ssyncadd.s32 $0xFFFFF000  }
0x6c: {  	[tilespmem:s14], [sflag:$0x1] =	stream.indirect.gather [hbm4b:s3+s11], $0x20, s20, s11, $0xb8;
	[tilespmem:$0x5000] =	vst v63  }
0x6d: {  	_ =	swait.ge [sflag:s15], $0x1000  }
0x6e: {  	[sflag:s15] =	ssyncset.done $0x0  }
0x6f: {  	s20 =	rddreg [dreg:$0xb];
	[sflag:s15] =	ssyncadd.s32 $0xFFFFF000  }
0x70: {  	[hbm4b:s20+s2] =	stream.linear.scatter [tilespmem:s12], [sflag:$0x2], $0x1000, $0x38;
	[tilespmem:$0x5000] =	vst v63  }
0x71: {  	_ =	swait.ge [sflag:s17], $0x1000  }
0x72: {  	[sflag:s17] =	ssyncset.done $0x0  }
0x73: {  	s20 =	simm.s32 $0x580;
	[sflag:s17] =	ssyncadd.s32 $0xFFFFF000  }
0x74: {  	[tilespmem:s16], [sflag:$0x1] =	stream.indirect.gather [hbm4b:s3+s11], $0x20, s20, s11, $0xb8;
	[tilespmem:$0x5000] =	vst v63  }
0x75: {  	_ =	swait.ge [sflag:s15], $0x1000  }
0x76: {  	[sflag:s15] =	ssyncset.done $0x0  }
0x77: {  	s20 =	rddreg [dreg:$0xc];
	[sflag:s15] =	ssyncadd.s32 $0xFFFFF000  }
0x78: {  	[hbm4b:s20+s2] =	stream.linear.scatter [tilespmem:s13], [sflag:$0x2], $0x1000, $0x38;
	[tilespmem:$0x5000] =	vst v63  }
0x79: {  	_ =	swait.ge [sflag:s17], $0x1000  }
0x7a: {  	[sflag:s17] =	ssyncset.done $0x0  }
0x7b: {  	s20 =	simm.s32 $0x600;
	[sflag:s17] =	ssyncadd.s32 $0xFFFFF000  }
0x7c: {  	[tilespmem:s12], [sflag:$0x1] =	stream.indirect.gather [hbm4b:s3+s11], $0x20, s20, s11, $0xb8;
	[tilespmem:$0x5000] =	vst v63  }
0x7d: {  	_ =	swait.ge [sflag:s15], $0x1000  }
0x7e: {  	[sflag:s15] =	ssyncset.done $0x0  }
0x7f: {  	s20 =	rddreg [dreg:$0xd];
	[sflag:s15] =	ssyncadd.s32 $0xFFFFF000  }
0x80: {  	[hbm4b:s20+s2] =	stream.linear.scatter [tilespmem:s14], [sflag:$0x2], $0x1000, $0x38;
	[tilespmem:$0x5000] =	vst v63  }
0x81: {  	_ =	swait.ge [sflag:s17], $0x1000  }
0x82: {  	[sflag:s17] =	ssyncset.done $0x0  }
0x83: {  	s20 =	simm.s32 $0x680;
	[sflag:s17] =	ssyncadd.s32 $0xFFFFF000  }
0x84: {  	[tilespmem:s13], [sflag:$0x1] =	stream.indirect.gather [hbm4b:s3+s11], $0x20, s20, s11, $0xb8;
	[tilespmem:$0x5000] =	vst v63  }
0x85: {  	_ =	swait.ge [sflag:s15], $0x1000  }
0x86: {  	[sflag:s15] =	ssyncset.done $0x0  }
0x87: {  	s20 =	rddreg [dreg:$0xe];
	[sflag:s15] =	ssyncadd.s32 $0xFFFFF000  }
0x88: {  	[hbm4b:s20+s2] =	stream.linear.scatter [tilespmem:s16], [sflag:$0x2], $0x1000, $0x38;
	[tilespmem:$0x5000] =	vst v63  }
0x89: {  	_ =	swait.ge [sflag:s17], $0x1000  }
0x8a: {  	[sflag:s17] =	ssyncset.done $0x0  }
0x8b: {  	s20 =	simm.s32 $0x700;
	[sflag:s17] =	ssyncadd.s32 $0xFFFFF000  }
0x8c: {  	[tilespmem:s14], [sflag:$0x1] =	stream.indirect.gather [hbm4b:s3+s11], $0x20, s20, s11, $0xb8;
	[tilespmem:$0x5000] =	vst v63  }
0x8d: {  	_ =	swait.ge [sflag:s15], $0x1000  }
0x8e: {  	[sflag:s15] =	ssyncset.done $0x0  }
0x8f: {  	s20 =	rddreg [dreg:$0xf];
	[sflag:s15] =	ssyncadd.s32 $0xFFFFF000  }
0x90: {  	[hbm4b:s20+s2] =	stream.linear.scatter [tilespmem:s12], [sflag:$0x2], $0x1000, $0x38;
	[tilespmem:$0x5000] =	vst v63  }
0x91: {  	_ =	swait.ge [sflag:s17], $0x1000  }
0x92: {  	[sflag:s17] =	ssyncset.done $0x0  }
0x93: {  	s20 =	simm.s32 $0x780;
	[sflag:s17] =	ssyncadd.s32 $0xFFFFF000  }
0x94: {  	[tilespmem:s16], [sflag:$0x1] =	stream.indirect.gather [hbm4b:s3+s11], $0x20, s20, s11, $0xb8;
	[tilespmem:$0x5000] =	vst v63  }
0x95: {  	_ =	swait.ge [sflag:s15], $0x1000  }
0x96: {  	[sflag:s15] =	ssyncset.done $0x0  }
0x97: {  	s20 =	rddreg [dreg:$0x10];
	[sflag:s15] =	ssyncadd.s32 $0xFFFFF000  }
0x98: {  	[hbm4b:s20+s2] =	stream.linear.scatter [tilespmem:s13], [sflag:$0x2], $0x1000, $0x38;
	[tilespmem:$0x5000] =	vst v63  }
0x99: {  	_ =	swait.ge [sflag:s17], $0x1000  }
0x9a: {  	[sflag:s17] =	ssyncset.done $0x0  }
0x9b: {  	s20 =	simm.s32 $0x800;
	[sflag:s17] =	ssyncadd.s32 $0xFFFFF000  }
0x9c: {  	[tilespmem:s12], [sflag:$0x1] =	stream.indirect.gather [hbm4b:s3+s11], $0x20, s20, s11, $0xb8;
	[tilespmem:$0x5000] =	vst v63  }
0x9d: {  	_ =	swait.ge [sflag:s15], $0x1000  }
0x9e: {  	[sflag:s15] =	ssyncset.done $0x0  }
0x9f: {  	s20 =	rddreg [dreg:$0x11];
	[sflag:s15] =	ssyncadd.s32 $0xFFFFF000  }
0xa0: {  	[hbm4b:s20+s2] =	stream.linear.scatter [tilespmem:s14], [sflag:$0x2], $0x1000, $0x38;
	[tilespmem:$0x5000] =	vst v63  }
0xa1: {  	_ =	swait.ge [sflag:s17], $0x1000  }
0xa2: {  	[sflag:s17] =	ssyncset.done $0x0  }
0xa3: {  	s20 =	simm.s32 $0x880;
	[sflag:s17] =	ssyncadd.s32 $0xFFFFF000  }
0xa4: {  	[tilespmem:s13], [sflag:$0x1] =	stream.indirect.gather [hbm4b:s3+s11], $0x20, s20, s11, $0xb8;
	[tilespmem:$0x5000] =	vst v63  }
0xa5: {  	_ =	swait.ge [sflag:s15], $0x1000  }
0xa6: {  	[sflag:s15] =	ssyncset.done $0x0  }
0xa7: {  	s20 =	rddreg [dreg:$0x12];
	[sflag:s15] =	ssyncadd.s32 $0xFFFFF000  }
0xa8: {  	[hbm4b:s20+s2] =	stream.linear.scatter [tilespmem:s16], [sflag:$0x2], $0x1000, $0x38;
	[tilespmem:$0x5000] =	vst v63  }
0xa9: {  	_ =	swait.ge [sflag:s17], $0x1000  }
0xaa: {  	[sflag:s17] =	ssyncset.done $0x0  }
0xab: {  	s20 =	simm.s32 $0x900;
	[sflag:s17] =	ssyncadd.s32 $0xFFFFF000  }
0xac: {  	[tilespmem:s14], [sflag:$0x1] =	stream.indirect.gather [hbm4b:s3+s11], $0x20, s20, s11, $0xb8;
	[tilespmem:$0x5000] =	vst v63  }
0xad: {  	_ =	swait.ge [sflag:s15], $0x1000  }
0xae: {  	[sflag:s15] =	ssyncset.done $0x0  }
0xaf: {  	[sflag:s15] =	ssyncadd.s32 $0xFFFFF000  }
0xb0: {  	[hbm4b:s21+s2] =	stream.linear.scatter [tilespmem:s12], [sflag:$0x2], $0x1000, $0x38;
	[tilespmem:$0x5000] =	vst v63  }
0xb1: {  	_ =	swait.ge [sflag:s17], $0x1000  }
0xb2: {  	[sflag:s17] =	ssyncset.done $0x0  }
0xb3: {  	s20 =	simm.s32 $0x980;
	[sflag:s17] =	ssyncadd.s32 $0xFFFFF000  }
0xb4: {  	[tilespmem:s16], [sflag:$0x1] =	stream.indirect.gather [hbm4b:s3+s11], $0x20, s20, s11, $0xb8;
	[tilespmem:$0x5000] =	vst v63  }
0xb5: {  	_ =	swait.ge [sflag:s15], $0x1000  }
0xb6: {  	[sflag:s15] =	ssyncset.done $0x0  }
0xb7: {  	[sflag:s15] =	ssyncadd.s32 $0xFFFFF000  }
0xb8: {  	[hbm4b:s22+s2] =	stream.linear.scatter [tilespmem:s13], [sflag:$0x2], $0x1000, $0x38;
	[tilespmem:$0x5000] =	vst v63  }
0xb9: {  	_ =	swait.ge [sflag:s17], $0x1000  }
0xba: {  	[sflag:s17] =	ssyncset.done $0x0  }
0xbb: {  	s20 =	simm.s32 $0xA00;
	[sflag:s17] =	ssyncadd.s32 $0xFFFFF000  }
0xbc: {  	[tilespmem:s12], [sflag:$0x1] =	stream.indirect.gather [hbm4b:s3+s11], $0x20, s20, s11, $0xb8;
	[tilespmem:$0x5000] =	vst v63  }
0xbd: {  	_ =	swait.ge [sflag:s15], $0x1000  }
0xbe: {  	[sflag:s15] =	ssyncset.done $0x0  }
0xbf: {  	[sflag:s15] =	ssyncadd.s32 $0xFFFFF000  }
0xc0: {  	[hbm4b:s23+s2] =	stream.linear.scatter [tilespmem:s14], [sflag:$0x2], $0x1000, $0x38;
	[tilespmem:$0x5000] =	vst v63  }
0xc1: {  	_ =	swait.ge [sflag:s17], $0x1000  }
0xc2: {  	[sflag:s17] =	ssyncset.done $0x0  }
0xc3: {  	s20 =	simm.s32 $0xA80;
	[sflag:s17] =	ssyncadd.s32 $0xFFFFF000  }
0xc4: {  	[tilespmem:s13], [sflag:$0x1] =	stream.indirect.gather [hbm4b:s3+s11], $0x20, s20, s11, $0xb8;
	[tilespmem:$0x5000] =	vst v63  }
0xc5: {  	_ =	swait.ge [sflag:s15], $0x1000  }
0xc6: {  	[sflag:s15] =	ssyncset.done $0x0  }
0xc7: {  	[sflag:s15] =	ssyncadd.s32 $0xFFFFF000  }
0xc8: {  	[hbm4b:s24+s2] =	stream.linear.scatter [tilespmem:s16], [sflag:$0x2], $0x1000, $0x38;
	[tilespmem:$0x5000] =	vst v63  }
0xc9: {  	_ =	swait.ge [sflag:s17], $0x1000  }
0xca: {  	[sflag:s17] =	ssyncset.done $0x0  }
0xcb: {  	s20 =	simm.s32 $0xB00;
	[sflag:s17] =	ssyncadd.s32 $0xFFFFF000  }
0xcc: {  	[tilespmem:s14], [sflag:$0x1] =	stream.indirect.gather [hbm4b:s3+s11], $0x20, s20, s11, $0xb8;
	[tilespmem:$0x5000] =	vst v63  }
0xcd: {  	_ =	swait.ge [sflag:s15], $0x1000  }
0xce: {  	[sflag:s15] =	ssyncset.done $0x0  }
0xcf: {  	[sflag:s15] =	ssyncadd.s32 $0xFFFFF000  }
0xd0: {  	[hbm4b:s26+s2] =	stream.linear.scatter [tilespmem:s12], [sflag:$0x2], $0x1000, $0x38;
	[tilespmem:$0x5000] =	vst v63  }
0xd1: {  	_ =	swait.ge [sflag:s17], $0x1000  }
0xd2: {  	[sflag:s17] =	ssyncset.done $0x0  }
0xd3: {  	s20 =	simm.s32 $0xB80;
	[sflag:s17] =	ssyncadd.s32 $0xFFFFF000  }
0xd4: {  	[tilespmem:s16], [sflag:$0x1] =	stream.indirect.gather [hbm4b:s3+s11], $0x20, s20, s11, $0xb8;
	[tilespmem:$0x5000] =	vst v63  }
0xd5: {  	_ =	swait.ge [sflag:s15], $0x1000  }
0xd6: {  	[sflag:s15] =	ssyncset.done $0x0  }
0xd7: {  	[sflag:s15] =	ssyncadd.s32 $0xFFFFF000  }
0xd8: {  	[hbm4b:s28+s2] =	stream.linear.scatter [tilespmem:s13], [sflag:$0x2], $0x1000, $0x38;
	[tilespmem:$0x5000] =	vst v63  }
0xd9: {  	_ =	swait.ge [sflag:s17], $0x1000  }
0xda: {  	[sflag:s17] =	ssyncset.done $0x0  }
0xdb: {  	s20 =	simm.s32 $0xC00;
	[sflag:s17] =	ssyncadd.s32 $0xFFFFF000  }
0xdc: {  	[tilespmem:s12], [sflag:$0x1] =	stream.indirect.gather [hbm4b:s3+s11], $0x20, s20, s11, $0xb8;
	[tilespmem:$0x5000] =	vst v63  }
0xdd: {  	_ =	swait.ge [sflag:s15], $0x1000  }
0xde: {  	[sflag:s15] =	ssyncset.done $0x0  }
0xdf: {  	[sflag:s15] =	ssyncadd.s32 $0xFFFFF000  }
0xe0: {  	[hbm4b:s29+s2] =	stream.linear.scatter [tilespmem:s14], [sflag:$0x2], $0x1000, $0x38;
	[tilespmem:$0x5000] =	vst v63  }
0xe1: {  	_ =	swait.ge [sflag:s17], $0x1000  }
0xe2: {  	[sflag:s17] =	ssyncset.done $0x0  }
0xe3: {  	s20 =	simm.s32 $0xC80;
	[sflag:s17] =	ssyncadd.s32 $0xFFFFF000  }
0xe4: {  	[tilespmem:s13], [sflag:$0x1] =	stream.indirect.gather [hbm4b:s3+s11], $0x20, s20, s11, $0xb8;
	[tilespmem:$0x5000] =	vst v63  }
0xe5: {  	_ =	swait.ge [sflag:s15], $0x1000  }
0xe6: {  	[sflag:s15] =	ssyncset.done $0x0  }
0xe7: {  	[sflag:s15] =	ssyncadd.s32 $0xFFFFF000  }
0xe8: {  	[hbm4b:s30+s2] =	stream.linear.scatter [tilespmem:s16], [sflag:$0x2], $0x1000, $0x38;
	[tilespmem:$0x5000] =	vst v63  }
0xe9: {  	_ =	swait.ge [sflag:s17], $0x1000  }
0xea: {  	[sflag:s17] =	ssyncset.done $0x0  }
0xeb: {  	s20 =	simm.s32 $0xD00;
	[sflag:s17] =	ssyncadd.s32 $0xFFFFF000  }
0xec: {  	[tilespmem:s14], [sflag:$0x1] =	stream.indirect.gather [hbm4b:s3+s11], $0x20, s20, s11, $0xb8;
	[tilespmem:$0x5000] =	vst v63  }
0xed: {  	_ =	swait.ge [sflag:s15], $0x1000  }
0xee: {  	[sflag:s15] =	ssyncset.done $0x0  }
0xef: {  	[sflag:s15] =	ssyncadd.s32 $0xFFFFF000  }
0xf0: {  	[hbm4b:s31+s2] =	stream.linear.scatter [tilespmem:s12], [sflag:$0x2], $0x1000, $0x38;
	[tilespmem:$0x5000] =	vst v63  }
0xf1: {  	_ =	swait.ge [sflag:s17], $0x1000  }
0xf2: {  	[sflag:s17] =	ssyncset.done $0x0  }
0xf3: {  	s20 =	simm.s32 $0xD80;
	[sflag:s17] =	ssyncadd.s32 $0xFFFFF000  }
0xf4: {  	[tilespmem:s16], [sflag:$0x1] =	stream.indirect.gather [hbm4b:s3+s11], $0x20, s20, s11, $0xb8;
	[tilespmem:$0x5000] =	vst v63  }
0xf5: {  	_ =	swait.ge [sflag:s15], $0x1000  }
0xf6: {  	[sflag:s15] =	ssyncset.done $0x0  }
0xf7: {  	[sflag:s15] =	ssyncadd.s32 $0xFFFFF000  }
0xf8: {  	[hbm4b:s0+s2] =	stream.linear.scatter [tilespmem:s13], [sflag:$0x2], $0x1000, $0x38;
	[tilespmem:$0x5000] =	vst v63  }
0xf9: {  	_ =	swait.ge [sflag:s17], $0x1000  }
0xfa: {  	[sflag:s17] =	ssyncset.done $0x0  }
0xfb: {  	s20 =	simm.s32 $0xE00;
	[sflag:s17] =	ssyncadd.s32 $0xFFFFF000  }
0xfc: {  	[tilespmem:s12], [sflag:$0x1] =	stream.indirect.gather [hbm4b:s3+s11], $0x20, s20, s11, $0xb8;
	[tilespmem:$0x5000] =	vst v63  }
0xfd: {  	_ =	swait.ge [sflag:s15], $0x1000  }
0xfe: {  	[sflag:s15] =	ssyncset.done $0x0  }
0xff: {  	[sflag:s15] =	ssyncadd.s32 $0xFFFFF000  }
0x100: {  	[hbm4b:s1+s2] =	stream.linear.scatter [tilespmem:s14], [sflag:$0x2], $0x1000, $0x38;
	[tilespmem:$0x5000] =	vst v63  }
0x101: {  	_ =	swait.ge [sflag:s17], $0x1000  }
0x102: {  	[sflag:s17] =	ssyncset.done $0x0  }
0x103: {  	s20 =	simm.s32 $0xE80;
	[sflag:s17] =	ssyncadd.s32 $0xFFFFF000  }
0x104: {  	[tilespmem:s13], [sflag:$0x1] =	stream.indirect.gather [hbm4b:s3+s11], $0x20, s20, s11, $0xb8;
	[tilespmem:$0x5000] =	vst v63  }
0x105: {  	_ =	swait.ge [sflag:s15], $0x1000  }
0x106: {  	[sflag:s15] =	ssyncset.done $0x0  }
0x107: {  	[sflag:s15] =	ssyncadd.s32 $0xFFFFF000  }
0x108: {  	[hbm4b:s5+s2] =	stream.linear.scatter [tilespmem:s16], [sflag:$0x2], $0x1000, $0x38;
	[tilespmem:$0x5000] =	vst v63  }
0x109: {  	_ =	swait.ge [sflag:s17], $0x1000  }
0x10a: {  	[sflag:s17] =	ssyncset.done $0x0  }
0x10b: {  	s20 =	simm.s32 $0xF00;
	[sflag:s17] =	ssyncadd.s32 $0xFFFFF000  }
0x10c: {  	[tilespmem:s14], [sflag:$0x1] =	stream.indirect.gather [hbm4b:s3+s11], $0x20, s20, s11, $0xb8;
	[tilespmem:$0x5000] =	vst v63  }
0x10d: {  	_ =	swait.ge [sflag:s15], $0x1000  }
0x10e: {  	[sflag:s15] =	ssyncset.done $0x0  }
0x10f: {  	[sflag:s15] =	ssyncadd.s32 $0xFFFFF000  }
0x110: {  	[hbm4b:s6+s2] =	stream.linear.scatter [tilespmem:s12], [sflag:$0x2], $0x1000, $0x38;
	[tilespmem:$0x5000] =	vst v63  }
0x111: {  	_ =	swait.ge [sflag:s17], $0x1000  }
0x112: {  	[sflag:s17] =	ssyncset.done $0x0  }
0x113: {  	s20 =	simm.s32 $0xF80;
	[sflag:s17] =	ssyncadd.s32 $0xFFFFF000  }
0x114: {  	[tilespmem:s16], [sflag:$0x1] =	stream.indirect.gather [hbm4b:s3+s11], $0x20, s20, s11, $0xb8;
	[tilespmem:$0x5000] =	vst v63  }
0x115: {  	_ =	swait.ge [sflag:s15], $0x1000  }
0x116: {  	[sflag:s15] =	ssyncset.done $0x0  }
0x117: {  	[sflag:s15] =	ssyncadd.s32 $0xFFFFF000  }
0x118: {  	[hbm4b:s7+s2] =	stream.linear.scatter [tilespmem:s13], [sflag:$0x2], $0x1000, $0x38;
	[tilespmem:$0x5000] =	vst v63  }
0x119: {  	_ =	swait.ge [sflag:s15], $0x1000  }
0x11a: {  	[sflag:s15] =	ssyncset.done $0x0  }
0x11b: {  	[sflag:s15] =	ssyncadd.s32 $0xFFFFF000  }
0x11c: {  	[hbm4b:s8+s2] =	stream.linear.scatter [tilespmem:s14], [sflag:$0x2], $0x1000, $0x38;
	[tilespmem:$0x5000] =	vst v63  }
0x11d: {  	_ =	swait.ge [sflag:s15], $0x1000  }
0x11e: {  	[sflag:s15] =	ssyncset.done $0x0  }
0x11f: {  	[sflag:s15] =	ssyncadd.s32 $0xFFFFF000  }
0x120: {  	[hbm4b:s9+s2] =	stream.linear.scatter [tilespmem:s16], [sflag:$0x2], $0x1000, $0x38;
	[tilespmem:$0x5000] =	vst v63  }
0x121: {  	_ =	swait.ge [sflag:s17], $0x1000  }
0x122: {  	[sflag:s17] =	ssyncset.done $0x0  }
0x123: {  	[sflag:s17] =	ssyncadd.s32 $0xFFFFF000  }
0x124: {  	_ =	swait.ge [sflag:s17], $0x1000  }
0x125: {  	[sflag:s17] =	ssyncset.done $0x0  }
0x126: {  	s18 =	sadd.s32 $0x1, s18;
	[sflag:s17] =	ssyncadd.s32 $0xFFFFF000  }
0x127: {  	p0 =	sne.s32 s18, s25;
	_ =	swait.ge [sflag:s17], $0x1000  }
.Ltmp1:
0x128: {  	[sflag:s17] =	ssyncset.done $0x0;
	(pc) =	sbr.rel @p0 .LBB2_1-.Ltmp1, $4  }
0x129: {  	[sflag:s17] =	ssyncadd.s32 $0xFFFFF000  }
0x12a: {  	_ =	swait.ge [sflag:s17], $0x1000  }
0x12b: {  	[sflag:s17] =	ssyncset.done $0x0  }
0x12c: {  	[sflag:s17] =	ssyncadd.s32 $0xFFFFF000  }
0x12d: {  	_ =	sfence.sel $0x180000  }
0x12e: {  	[bflag:$0x0] =	sbarrier.arrive $0xFFFF  }
0x12f: {  	_ =	strace $0x90000047  }
0x130: {  	s0 =	stileid.u32;
	[bflag:$0x2] =	sbarrier.arrive $0xFFFF  }
0x131: {  	p0 =	sne.s32 s0, $0x0;
	s0 =	rddreg [dreg:$0x2]  }
0x132: {  	s0 =	sadd.s32 @!p0 $0x100000, s0  }
0x133: {  	[sflag:s0] =	ssyncadd.tile.s32 @!p0 $0x1;
	_ =	shalt  }
.Lfunc_end2:
_tile_overlayer_lowered:
.L_overlay_start_2:
0x134: {  	(tag) =	ssettag $0x2  }
0x135: {  	s0 =	rddreg [dreg:$0x0];
	s2 =	stileid.u32  }
0x136: {  	s1 =	rddreg [dreg:$0x1];
	p0 =	sne.s32 s2, $0x0  }
0x137: {  	s3 =	rddreg [dreg:$0x2];
	[bflag:$0x3] =	sbarrier.arrive $0xFFFF;
	s2 =	simm.s32 @!p0 $0x1C03  }
0x138: {  	[timem:s3], [sflag:s2] =	dma.local @!p0 [hbm:s0], s1  }
0x139: {  	s0 =	simm.s32 @!p0 $0x3  }
0x13a: {  	_ =	swait.ge @!p0 [sflag:s0], s1  }
0x13b: {  	s1 =	ssub.s32 @!p0 $0x0, s1;
	[sflag:s0] =	ssyncset.done @!p0 $0x0  }
0x13c: {  	[sflag:s0] =	ssyncadd.s32 @!p0 s1  }
0x13d: {  	[bflag:$0x3] =	sbarrier.arrive $0xFFFF  }
0x13e: {  	_ =	shalt  }

</sc_bundles>
